<compile_context>
chip_gen: v7x
topology: tpu7x:2x2x1
jax: 0.10.2.dev20260603
libtpu: 0.0.44.dev20260713+nightly
codegen_flags: <defaults>
</compile_context>

<pallas_src>
import functools

import jax
import jax.numpy as jnp
from jax import lax
from jax.experimental import pallas as pl
from jax.experimental.pallas import tpu as pltpu
from jax.experimental.pallas import tpu_sc as plsc

N_NODES = 10000
N_EDGES = 320000
D = 128

NC, NS = 2, 16
NW = NC * NS
EPW = N_EDGES // NW
CHUNK = 80
NCHUNK = EPW // CHUNK
NBUF = 2
L = 16
ZC = 40
NZC = N_NODES // ZC
ZITER = -(-NZC // NS)


def _sc_body(x_hbm, edges_hbm,
             agg_out, deg_out,
             agg_sh, idx_v, rows_v, deg_v, z128_v, gsem, ssem, isem):
    cid = lax.axis_index("c")
    sid = lax.axis_index("s")
    wid = cid * NS + sid

    zeros16 = jnp.zeros((L,), jnp.float32)

    def dzero_step(k, carry):
        deg_v[pl.ds(k * L, L)] = zeros16
        return carry

    lax.fori_loop(0, N_NODES // L, dzero_step, 0)

    def rzero_step(k, carry):
        for col in range(D // L):
            z128_v[k, pl.ds(col * L, L)] = zeros16
        return carry

    lax.fori_loop(0, ZC, rzero_step, 0)

    def zero_step(k, carry):
        c = sid + k * NS

        @pl.when(c < NZC)
        def _():
            pltpu.sync_copy(z128_v, agg_sh.at[pl.ds(c * ZC, ZC)])

        return carry

    lax.fori_loop(0, ZITER, zero_step, 0)
    plsc.subcore_barrier()

    ones16 = jnp.ones((L,), jnp.float32)

    def start_idx(i, c):
        pltpu.async_copy(edges_hbm.at[wid, i], idx_v.at[c], isem.at[c])

    def wait_idx(i, c):
        pltpu.make_async_copy(
            edges_hbm.at[wid, i], idx_v.at[c], isem.at[c]).wait()

    def start_gather(b, c):
        pltpu.async_copy(x_hbm.at[idx_v.at[c, 0]], rows_v.at[b], gsem.at[b])

    def wait_gather(b, c):
        pltpu.make_async_copy(
            x_hbm.at[idx_v.at[c, 0]], rows_v.at[b], gsem.at[b]).wait()

    def start_scatter(b, c):
        pltpu.async_copy(rows_v.at[b], agg_sh.at[idx_v.at[c, 1]],
                         ssem.at[b], add=True)

    def wait_scatter(b, c):
        pltpu.make_async_copy(
            rows_v.at[b], agg_sh.at[idx_v.at[c, 1]], ssem.at[b]).wait()

    pltpu.sync_copy(edges_hbm.at[wid, 0], idx_v.at[0])
    start_idx(1, 1)
    start_gather(0, 0)

    UNROLL = 4

    def quad_step(j, carry):
        for p in range(UNROLL):
            i = UNROLL * j + p
            b, c = p % NBUF, p % 4

            @pl.when(i < NCHUNK)
            def _():
                for g in range(CHUNK // L):
                    dst16 = idx_v[c, 1, pl.ds(g * L, L)]
                    plsc.addupdate_scatter(deg_v, [dst16], ones16)
                wait_gather(b, c)
                start_scatter(b, c)

                @pl.when(i + 2 < NCHUNK)
                def _():
                    start_idx(i + 2, (p + 2) % 4)

                inext = i + 1

                @pl.when(inext < NCHUNK)
                def _():
                    b2, c2 = (p + 1) % NBUF, (p + 1) % 4

                    @pl.when(inext >= NBUF)
                    def _():
                        wait_scatter(b2, (p + 3) % 4)

                    wait_idx(inext, c2)
                    start_gather(b2, c2)

        return carry

    lax.fori_loop(0, -(-NCHUNK // UNROLL), quad_step, 0)
    wait_scatter((NCHUNK - 1) % NBUF, (NCHUNK - 1) % 4)
    wait_scatter((NCHUNK - 2) % NBUF, (NCHUNK - 2) % 4)
    plsc.subcore_barrier()

    pltpu.sync_copy(deg_v, deg_out.at[wid])

    def out_step(k, carry):
        c = sid + k * NS

        @pl.when(c < NZC)
        def _():
            r0 = c * ZC
            pltpu.sync_copy(agg_sh.at[pl.ds(r0, ZC)], z128_v)
            pltpu.sync_copy(z128_v, agg_out.at[cid, pl.ds(r0, ZC)])

        return carry

    lax.fori_loop(0, ZITER, out_step, 0)


_sc_call = pl.kernel(
    _sc_body,
    out_type=(jax.ShapeDtypeStruct((NC, N_NODES, D), jnp.float32),
              jax.ShapeDtypeStruct((NW, N_NODES), jnp.float32)),
    mesh=plsc.VectorSubcoreMesh(core_axis_name="c", subcore_axis_name="s",
                                num_cores=NC, num_subcores=NS),
    compiler_params=pltpu.CompilerParams(needs_layout_passes=False),
    scratch_types=[
        pltpu.VMEM_SHARED((N_NODES, D), jnp.float32),
        pltpu.VMEM((4, 2, CHUNK), jnp.int32),
        pltpu.VMEM((NBUF, CHUNK, D), jnp.float32),
        pltpu.VMEM((N_NODES,), jnp.float32),
        pltpu.VMEM((ZC, D), jnp.float32),
        pltpu.SemaphoreType.DMA((NBUF,)),
        pltpu.SemaphoreType.DMA((NBUF,)),
        pltpu.SemaphoreType.DMA((4,)),
    ],
)


BLK = 512


def _tc_body(x_ref, a_ref, d_ref, ws_ref, wn_ref, bs_ref, bn_ref, o_ref):
    x = x_ref[...]
    agg = a_ref[0] + a_ref[1]
    deg = jnp.sum(d_ref[...], axis=0)[:, None]
    deg = jnp.maximum(deg, 1.0)
    agg = agg / deg
    dnums = (((1,), (1,)), ((), ()))
    h = jax.lax.dot_general(x, ws_ref[...], dnums,
                            preferred_element_type=jnp.float32)
    h = h + jax.lax.dot_general(agg, wn_ref[...], dnums,
                                preferred_element_type=jnp.float32)
    h = h + bs_ref[...] + bn_ref[...]
    o_ref[...] = jnp.maximum(h, 0.0)


_tc_call = pl.pallas_call(
    _tc_body,
    grid=(-(-N_NODES // BLK),),
    in_specs=[
        pl.BlockSpec((BLK, D), lambda i: (i, 0)),
        pl.BlockSpec((NC, BLK, D), lambda i: (0, i, 0)),
        pl.BlockSpec((NW, BLK), lambda i: (0, i)),
        pl.BlockSpec((D, D), lambda i: (0, 0)),
        pl.BlockSpec((D, D), lambda i: (0, 0)),
        pl.BlockSpec((1, D), lambda i: (0, 0)),
        pl.BlockSpec((1, D), lambda i: (0, 0)),
    ],
    out_specs=pl.BlockSpec((BLK, D), lambda i: (i, 0)),
    out_shape=jax.ShapeDtypeStruct((N_NODES, D), jnp.float32),
)


def kernel(x, edge_index, W_self, b_self, W_neigh, b_neigh):
    ei = edge_index.astype(jnp.int32)
    edges = ei.reshape(2, NW, NCHUNK, CHUNK).transpose(1, 2, 0, 3)
    agg_parts, deg_parts = _sc_call(x, edges)
    return _tc_call(x, agg_parts, deg_parts, W_self, W_neigh,
                    b_self[None, :], b_neigh[None, :])

# --- scband reference (transcript-rebuilt; emitter-appended) ---
"""Pipeline reference for scband-graph-sagelayer-80934363726337 (READ-ONLY COPY).

The authoritative reference and input builder live on the scoring server;
editing this copy changes nothing except your own understanding.
"""

import jax, jax.numpy as jnp
import numpy as np

N_NODES = 10000
N_EDGES = 320000
D_IN = 128
D_OUT = 128


def setup_inputs(seed: int = 0) -> dict:
    key = jax.random.key(seed)
    k_x, k_e, k_ws, k_bs, k_wn, k_bn = jax.random.split(key, 6)
    x = jax.random.normal(k_x, (N_NODES, D_IN), dtype=jnp.float32)
    edge_index = jax.random.randint(k_e, (2, N_EDGES), 0, N_NODES, dtype=jnp.int64)
    bound = 1.0 / np.sqrt(D_IN)
    W_self = jax.random.uniform(k_ws, (D_OUT, D_IN), minval=-bound, maxval=bound, dtype=jnp.float32)
    b_self = jax.random.uniform(k_bs, (D_OUT,), minval=-bound, maxval=bound, dtype=jnp.float32)
    W_neigh = jax.random.uniform(k_wn, (D_OUT, D_IN), minval=-bound, maxval=bound, dtype=jnp.float32)
    b_neigh = jax.random.uniform(k_bn, (D_OUT,), minval=-bound, maxval=bound, dtype=jnp.float32)
    return {"x": x, "edge_index": edge_index, "W_self": W_self, "b_self": b_self, "W_neigh": W_neigh, "b_neigh": b_neigh}


def reference(x, edge_index, W_self, b_self, W_neigh, b_neigh):
    src = edge_index[0]
    dst = edge_index[1]
    # scatter-add aggregation: agg[dst] += x[src]
    agg = jnp.zeros_like(x).at[dst].add(x[src])
    # degree normalization with clamp_min(1)
    deg = jnp.bincount(dst, length=x.shape[0])
    deg = jnp.clip(deg, 1, None).astype(x.dtype)[:, None]
    agg = agg / deg
    h = x @ W_self.T + b_self + agg @ W_neigh.T + b_neigh
    h = jax.nn.relu(h)
    # dropout is identity in eval mode
    return h

if __name__ == "__main__":
    import jax
    _d = setup_inputs()
    print(jax.jit(kernel)(*tuple(_d.values())))

</pallas_src>

<mosaic_0001>
#map = affine_map<(d0, d1) -> (0, 0)>
#map1 = affine_map<(d0, d1) -> (0, 0, 0, 0)>
#map2 = affine_map<(d0, d1) -> (0, 0, 0)>
module attributes {stable_mosaic.version = 14 : i64} {
  func.func @_sc_body(%arg0: i32, %arg1: i32, %arg2: memref<10000x128xf32, #tpu.memory_space<hbm>>, %arg3: memref<32x125x2x80xi32, #tpu.memory_space<hbm>>, %arg4: memref<2x10000x128xf32, #tpu.memory_space<hbm>>, %arg5: memref<32x10000xf32, #tpu.memory_space<hbm>>, %arg6: memref<10000x128xf32, #tpu.memory_space<vmem_shared>>, %arg7: memref<4x2x80xi32, #tpu.memory_space<vmem>>, %arg8: memref<2x80x128xf32, #tpu.memory_space<vmem>>, %arg9: memref<10000xf32, #tpu.memory_space<vmem>>, %arg10: memref<40x128xf32, #tpu.memory_space<vmem>>, %arg11: memref<2x!tpu.dma_semaphore, #tpu.memory_space<semaphore_mem>>, %arg12: memref<2x!tpu.dma_semaphore, #tpu.memory_space<semaphore_mem>>, %arg13: memref<4x!tpu.dma_semaphore, #tpu.memory_space<semaphore_mem>>) attributes {dimension_semantics = [#tpu.dimension_semantics<core_parallel>, #tpu.dimension_semantics<subcore_parallel>], iteration_bounds = array<i64: 2, 16>, scalar_prefetch = 0 : i64, scratch_operands = 8 : i64, tpu.core_type = #tpu.core_type<sc_vector_subcore>, window_params = [{transform_indices = #map}, {transform_indices = #map1}, {transform_indices = #map2}, {transform_indices = #map}]} {
    %mul3A = arith.constant 16 : i32
    %mul3A_0 = arith.muli %arg0, %mul3A : i32
    %add3A = arith.addi %mul3A_0, %arg1 : i32
    %broadcast_in_dim3A = arith.constant 0.000000e+00 : f32
    %broadcast_in_dim3A_1 = vector.broadcast %broadcast_in_dim3A : f32 to vector<16xf32>
    %scan3A = arith.constant 0 : i32
    %scan3A_2 = arith.constant 0 : i32
    %scan3A_3 = arith.constant 625 : i32
    %scan3A_4 = arith.addi %scan3A_2, %scan3A_3 : i32
    %scan3A_5 = arith.constant 1 : i32
    scf.for %scan3A_102 = %scan3A_2 to %scan3A_4 step %scan3A_5  : i32 {
      %mul3A_103 = arith.constant 16 : i32
      %mul3A_104 = arith.muli %scan3A_102, %mul3A_103 : i32
      %swap3A = arith.index_cast %mul3A_104 : i32 to index
      %swap3A_105 = tpu.vector_load %arg9[%swap3A] {strides = array<i32>} : memref<10000xf32, #tpu.memory_space<vmem>>, vector<16xf32>,
      tpu.vector_store %arg9[%swap3A], %broadcast_in_dim3A_1 {strides = array<i32>} : memref<10000xf32, #tpu.memory_space<vmem>>, vector<16xf32>,
    }
    %scan3A_6 = arith.constant 625 : i32
    %scan3A_7 = arith.constant 0 : i32
    %scan3A_8 = arith.constant 0 : i32
    %scan3A_9 = arith.constant 40 : i32
    %scan3A_10 = arith.addi %scan3A_8, %scan3A_9 : i32
    %scan3A_11 = arith.constant 1 : i32
    scf.for %scan3A_102 = %scan3A_8 to %scan3A_10 step %scan3A_11  : i32 {
      %swap3A = arith.index_cast %scan3A_102 : i32 to index
      %swap3A_103 = arith.constant 0 : index
      %swap3A_104 = tpu.vector_load %arg10[%swap3A, %swap3A_103] {strides = array<i32>} : memref<40x128xf32, #tpu.memory_space<vmem>>, vector<16xf32>,
      tpu.vector_store %arg10[%swap3A, %swap3A_103], %broadcast_in_dim3A_1 {strides = array<i32>} : memref<40x128xf32, #tpu.memory_space<vmem>>, vector<16xf32>,
      %swap3A_105 = arith.index_cast %scan3A_102 : i32 to index
      %swap3A_106 = arith.constant 16 : index
      %swap3A_107 = tpu.vector_load %arg10[%swap3A_105, %swap3A_106] {strides = array<i32>} : memref<40x128xf32, #tpu.memory_space<vmem>>, vector<16xf32>,
      tpu.vector_store %arg10[%swap3A_105, %swap3A_106], %broadcast_in_dim3A_1 {strides = array<i32>} : memref<40x128xf32, #tpu.memory_space<vmem>>, vector<16xf32>,
      %swap3A_108 = arith.index_cast %scan3A_102 : i32 to index
      %swap3A_109 = arith.constant 32 : index
      %swap3A_110 = tpu.vector_load %arg10[%swap3A_108, %swap3A_109] {strides = array<i32>} : memref<40x128xf32, #tpu.memory_space<vmem>>, vector<16xf32>,
      tpu.vector_store %arg10[%swap3A_108, %swap3A_109], %broadcast_in_dim3A_1 {strides = array<i32>} : memref<40x128xf32, #tpu.memory_space<vmem>>, vector<16xf32>,
      %swap3A_111 = arith.index_cast %scan3A_102 : i32 to index
      %swap3A_112 = arith.constant 48 : index
      %swap3A_113 = tpu.vector_load %arg10[%swap3A_111, %swap3A_112] {strides = array<i32>} : memref<40x128xf32, #tpu.memory_space<vmem>>, vector<16xf32>,
      tpu.vector_store %arg10[%swap3A_111, %swap3A_112], %broadcast_in_dim3A_1 {strides = array<i32>} : memref<40x128xf32, #tpu.memory_space<vmem>>, vector<16xf32>,
      %swap3A_114 = arith.index_cast %scan3A_102 : i32 to index
      %swap3A_115 = arith.constant 64 : index
      %swap3A_116 = tpu.vector_load %arg10[%swap3A_114, %swap3A_115] {strides = array<i32>} : memref<40x128xf32, #tpu.memory_space<vmem>>, vector<16xf32>,
      tpu.vector_store %arg10[%swap3A_114, %swap3A_115], %broadcast_in_dim3A_1 {strides = array<i32>} : memref<40x128xf32, #tpu.memory_space<vmem>>, vector<16xf32>,
      %swap3A_117 = arith.index_cast %scan3A_102 : i32 to index
      %swap3A_118 = arith.constant 80 : index
      %swap3A_119 = tpu.vector_load %arg10[%swap3A_117, %swap3A_118] {strides = array<i32>} : memref<40x128xf32, #tpu.memory_space<vmem>>, vector<16xf32>,
      tpu.vector_store %arg10[%swap3A_117, %swap3A_118], %broadcast_in_dim3A_1 {strides = array<i32>} : memref<40x128xf32, #tpu.memory_space<vmem>>, vector<16xf32>,
      %swap3A_120 = arith.index_cast %scan3A_102 : i32 to index
      %swap3A_121 = arith.constant 96 : index
      %swap3A_122 = tpu.vector_load %arg10[%swap3A_120, %swap3A_121] {strides = array<i32>} : memref<40x128xf32, #tpu.memory_space<vmem>>, vector<16xf32>,
      tpu.vector_store %arg10[%swap3A_120, %swap3A_121], %broadcast_in_dim3A_1 {strides = array<i32>} : memref<40x128xf32, #tpu.memory_space<vmem>>, vector<16xf32>,
      %swap3A_123 = arith.index_cast %scan3A_102 : i32 to index
      %swap3A_124 = arith.constant 112 : index
      %swap3A_125 = tpu.vector_load %arg10[%swap3A_123, %swap3A_124] {strides = array<i32>} : memref<40x128xf32, #tpu.memory_space<vmem>>, vector<16xf32>,
      tpu.vector_store %arg10[%swap3A_123, %swap3A_124], %broadcast_in_dim3A_1 {strides = array<i32>} : memref<40x128xf32, #tpu.memory_space<vmem>>, vector<16xf32>,
    }
    %scan3A_12 = arith.constant 40 : i32
    %scan3A_13 = arith.constant 0 : i32
    %scan3A_14 = arith.constant 0 : i32
    %scan3A_15 = arith.constant 16 : i32
    %scan3A_16 = arith.addi %scan3A_14, %scan3A_15 : i32
    %scan3A_17 = arith.constant 1 : i32
    scf.for %scan3A_102 = %scan3A_14 to %scan3A_16 step %scan3A_17  : i32 {
      %mul3A_103 = arith.constant 16 : i32
      %mul3A_104 = arith.muli %scan3A_102, %mul3A_103 : i32
      %add3A_105 = arith.addi %arg1, %mul3A_104 : i32
      %lt3A = arith.constant 250 : i32
      %lt3A_106 = arith.cmpi slt, %add3A_105, %lt3A : i32
      %convert_element_type3A = arith.extui %lt3A_106 : i1 to i32
      %cond3A = arith.constant 0 : i32
      %cond3A_107 = arith.cmpi ne, %convert_element_type3A, %cond3A : i32
      scf.if %cond3A_107 {
        %mul3A_108 = arith.constant 40 : i32
        %mul3A_109 = arith.muli %add3A_105, %mul3A_108 : i32
        "tpu.region"() ({
          %run_scoped3A_110 = tpu.sem_alloc : memref<!tpu.dma_semaphore, #tpu.memory_space<semaphore_mem>>
          %dma_start3A_111 = arith.constant 0 : i32
          %dma_start3A_112 = tpu.memref_slice %arg6[%mul3A_109, %dma_start3A_111] : memref<10000x128xf32, #tpu.memory_space<vmem_shared>> -> memref<40x128xf32, #tpu.memory_space<vmem_shared>>
          %dma_start3A_113 = arith.constant 0 : i32
          %dma_start3A_114 = tpu.memref_slice %arg6[%mul3A_109, %dma_start3A_113] : memref<10000x128xf32, #tpu.memory_space<vmem_shared>> -> memref<40x128xf32, #tpu.memory_space<vmem_shared>>
          tpu.enqueue_dma source(%arg10 : memref<40x128xf32, #tpu.memory_space<vmem>>) target(%dma_start3A_114 : memref<40x128xf32, #tpu.memory_space<vmem_shared>>) target_semaphore(%run_scoped3A_110 : memref<!tpu.dma_semaphore, #tpu.memory_space<semaphore_mem>>)
          %dma_wait3A_115 = arith.constant 0 : i32
          %dma_wait3A_116 = tpu.memref_slice %arg6[%mul3A_109, %dma_wait3A_115] : memref<10000x128xf32, #tpu.memory_space<vmem_shared>> -> memref<40x128xf32, #tpu.memory_space<vmem_shared>>
          %dma_wait3A_117 = arith.constant 0 : i32
          %dma_wait3A_118 = tpu.memref_slice %arg6[%mul3A_109, %dma_wait3A_117] : memref<10000x128xf32, #tpu.memory_space<vmem_shared>> -> memref<40x128xf32, #tpu.memory_space<vmem_shared>>
          tpu.wait_dma2 semaphore(%run_scoped3A_110 : memref<!tpu.dma_semaphore, #tpu.memory_space<semaphore_mem>>) src(%arg10 : memref<40x128xf32, #tpu.memory_space<vmem>>) dst(%dma_wait3A_118 : memref<40x128xf32, #tpu.memory_space<vmem_shared>>)
          tpu.yield
        }) : () -> ()
      } else {
      }
    }
    %scan3A_18 = arith.constant 16 : i32
    %barrier3A = arith.constant 0 : index
    tpu.barrier barrier_id(%barrier3A)
    %broadcast_in_dim3A_19 = arith.constant 1.000000e+00 : f32
    %broadcast_in_dim3A_20 = vector.broadcast %broadcast_in_dim3A_19 : f32 to vector<16xf32>
    %run_scoped3A = arith.constant 0 : i32
    %run_scoped3A_21 = arith.constant 0 : i32
    "tpu.region"() ({
      %run_scoped3A_102 = tpu.sem_alloc : memref<!tpu.dma_semaphore, #tpu.memory_space<semaphore_mem>>
      %dma_start3A_103 = arith.constant 0 : i32
      %dma_start3A_104 = arith.constant 0 : i32
      %dma_start3A_105 = tpu.memref_slice %arg7[%run_scoped3A_21, %dma_start3A_103, %dma_start3A_104] : memref<4x2x80xi32, #tpu.memory_space<vmem>> -> memref<1x2x80xi32, #tpu.memory_space<vmem>>
      %dma_start3A_106 = tpu.memref_squeeze %dma_start3A_105 : memref<1x2x80xi32, #tpu.memory_space<vmem>> -> memref<2x80xi32, #tpu.memory_space<vmem>>
      %dma_start3A_107 = arith.constant 0 : i32
      %dma_start3A_108 = arith.constant 0 : i32
      %dma_start3A_109 = tpu.memref_slice %arg3[%add3A, %run_scoped3A, %dma_start3A_107, %dma_start3A_108] : memref<32x125x2x80xi32, #tpu.memory_space<hbm>> -> memref<1x1x2x80xi32, #tpu.memory_space<hbm>>
      %dma_start3A_110 = tpu.memref_squeeze %dma_start3A_109 : memref<1x1x2x80xi32, #tpu.memory_space<hbm>> -> memref<2x80xi32, #tpu.memory_space<hbm>>
      %dma_start3A_111 = arith.constant 0 : i32
      %dma_start3A_112 = arith.constant 0 : i32
      %dma_start3A_113 = tpu.memref_slice %arg7[%run_scoped3A_21, %dma_start3A_111, %dma_start3A_112] : memref<4x2x80xi32, #tpu.memory_space<vmem>> -> memref<1x2x80xi32, #tpu.memory_space<vmem>>
      %dma_start3A_114 = tpu.memref_squeeze %dma_start3A_113 : memref<1x2x80xi32, #tpu.memory_space<vmem>> -> memref<2x80xi32, #tpu.memory_space<vmem>>
      %dma_start3A_115 = arith.constant 0 : i32
      %dma_start3A_116 = arith.constant 0 : i32
      %dma_start3A_117 = tpu.memref_slice %arg3[%add3A, %run_scoped3A, %dma_start3A_115, %dma_start3A_116] : memref<32x125x2x80xi32, #tpu.memory_space<hbm>> -> memref<1x1x2x80xi32, #tpu.memory_space<hbm>>
      %dma_start3A_118 = tpu.memref_squeeze %dma_start3A_117 : memref<1x1x2x80xi32, #tpu.memory_space<hbm>> -> memref<2x80xi32, #tpu.memory_space<hbm>>
      tpu.enqueue_dma source(%dma_start3A_118 : memref<2x80xi32, #tpu.memory_space<hbm>>) target(%dma_start3A_114 : memref<2x80xi32, #tpu.memory_space<vmem>>) target_semaphore(%run_scoped3A_102 : memref<!tpu.dma_semaphore, #tpu.memory_space<semaphore_mem>>)
      %dma_wait3A_119 = arith.constant 0 : i32
      %dma_wait3A_120 = arith.constant 0 : i32
      %dma_wait3A_121 = tpu.memref_slice %arg7[%run_scoped3A_21, %dma_wait3A_119, %dma_wait3A_120] : memref<4x2x80xi32, #tpu.memory_space<vmem>> -> memref<1x2x80xi32, #tpu.memory_space<vmem>>
      %dma_wait3A_122 = tpu.memref_squeeze %dma_wait3A_121 : memref<1x2x80xi32, #tpu.memory_space<vmem>> -> memref<2x80xi32, #tpu.memory_space<vmem>>
      %dma_wait3A_123 = arith.constant 0 : i32
      %dma_wait3A_124 = arith.constant 0 : i32
      %dma_wait3A_125 = tpu.memref_slice %arg3[%add3A, %run_scoped3A, %dma_wait3A_123, %dma_wait3A_124] : memref<32x125x2x80xi32, #tpu.memory_space<hbm>> -> memref<1x1x2x80xi32, #tpu.memory_space<hbm>>
      %dma_wait3A_126 = tpu.memref_squeeze %dma_wait3A_125 : memref<1x1x2x80xi32, #tpu.memory_space<hbm>> -> memref<2x80xi32, #tpu.memory_space<hbm>>
      %dma_wait3A_127 = arith.constant 0 : i32
      %dma_wait3A_128 = arith.constant 0 : i32
      %dma_wait3A_129 = tpu.memref_slice %arg7[%run_scoped3A_21, %dma_wait3A_127, %dma_wait3A_128] : memref<4x2x80xi32, #tpu.memory_space<vmem>> -> memref<1x2x80xi32, #tpu.memory_space<vmem>>
      %dma_wait3A_130 = tpu.memref_squeeze %dma_wait3A_129 : memref<1x2x80xi32, #tpu.memory_space<vmem>> -> memref<2x80xi32, #tpu.memory_space<vmem>>
      %dma_wait3A_131 = arith.constant 0 : i32
      %dma_wait3A_132 = arith.constant 0 : i32
      %dma_wait3A_133 = tpu.memref_slice %arg3[%add3A, %run_scoped3A, %dma_wait3A_131, %dma_wait3A_132] : memref<32x125x2x80xi32, #tpu.memory_space<hbm>> -> memref<1x1x2x80xi32, #tpu.memory_space<hbm>>
      %dma_wait3A_134 = tpu.memref_squeeze %dma_wait3A_133 : memref<1x1x2x80xi32, #tpu.memory_space<hbm>> -> memref<2x80xi32, #tpu.memory_space<hbm>>
      tpu.wait_dma2 semaphore(%run_scoped3A_102 : memref<!tpu.dma_semaphore, #tpu.memory_space<semaphore_mem>>) src(%dma_wait3A_134 : memref<2x80xi32, #tpu.memory_space<hbm>>) dst(%dma_wait3A_130 : memref<2x80xi32, #tpu.memory_space<vmem>>)
      tpu.yield
    }) : () -> ()
    %dma_start3A = arith.constant 1 : i32
    %dma_start3A_22 = arith.constant 1 : i32
    %dma_start3A_23 = arith.constant 1 : i32
    %dma_start3A_24 = arith.constant 0 : i32
    %dma_start3A_25 = arith.constant 0 : i32
    %dma_start3A_26 = tpu.memref_slice %arg7[%dma_start3A_22, %dma_start3A_24, %dma_start3A_25] : memref<4x2x80xi32, #tpu.memory_space<vmem>> -> memref<1x2x80xi32, #tpu.memory_space<vmem>>
    %dma_start3A_27 = tpu.memref_squeeze %dma_start3A_26 : memref<1x2x80xi32, #tpu.memory_space<vmem>> -> memref<2x80xi32, #tpu.memory_space<vmem>>
    %dma_start3A_28 = arith.constant 0 : i32
    %dma_start3A_29 = arith.constant 0 : i32
    %dma_start3A_30 = tpu.memref_slice %arg3[%add3A, %dma_start3A, %dma_start3A_28, %dma_start3A_29] : memref<32x125x2x80xi32, #tpu.memory_space<hbm>> -> memref<1x1x2x80xi32, #tpu.memory_space<hbm>>
    %dma_start3A_31 = tpu.memref_squeeze %dma_start3A_30 : memref<1x1x2x80xi32, #tpu.memory_space<hbm>> -> memref<2x80xi32, #tpu.memory_space<hbm>>
    %dma_start3A_32 = tpu.memref_slice %arg13[%dma_start3A_23] : memref<4x!tpu.dma_semaphore, #tpu.memory_space<semaphore_mem>> -> memref<1x!tpu.dma_semaphore, #tpu.memory_space<semaphore_mem>>
    %dma_start3A_33 = tpu.memref_squeeze %dma_start3A_32 : memref<1x!tpu.dma_semaphore, #tpu.memory_space<semaphore_mem>> -> memref<!tpu.dma_semaphore, #tpu.memory_space<semaphore_mem>>
    %dma_start3A_34 = arith.constant 0 : i32
    %dma_start3A_35 = arith.constant 0 : i32
    %dma_start3A_36 = tpu.memref_slice %arg7[%dma_start3A_22, %dma_start3A_34, %dma_start3A_35] : memref<4x2x80xi32, #tpu.memory_space<vmem>> -> memref<1x2x80xi32, #tpu.memory_space<vmem>>
    %dma_start3A_37 = tpu.memref_squeeze %dma_start3A_36 : memref<1x2x80xi32, #tpu.memory_space<vmem>> -> memref<2x80xi32, #tpu.memory_space<vmem>>
    %dma_start3A_38 = arith.constant 0 : i32
    %dma_start3A_39 = arith.constant 0 : i32
    %dma_start3A_40 = tpu.memref_slice %arg3[%add3A, %dma_start3A, %dma_start3A_38, %dma_start3A_39] : memref<32x125x2x80xi32, #tpu.memory_space<hbm>> -> memref<1x1x2x80xi32, #tpu.memory_space<hbm>>
    %dma_start3A_41 = tpu.memref_squeeze %dma_start3A_40 : memref<1x1x2x80xi32, #tpu.memory_space<hbm>> -> memref<2x80xi32, #tpu.memory_space<hbm>>
    tpu.enqueue_dma source(%dma_start3A_41 : memref<2x80xi32, #tpu.memory_space<hbm>>) target(%dma_start3A_37 : memref<2x80xi32, #tpu.memory_space<vmem>>) target_semaphore(%dma_start3A_33 : memref<!tpu.dma_semaphore, #tpu.memory_space<semaphore_mem>>)
    %dma_start3A_42 = arith.constant 0 : i32
    %dma_start3A_43 = arith.constant 0 : i32
    %dma_start3A_44 = arith.constant 0 : i32
    %dma_start3A_45 = arith.constant 0 : i32
    %dma_start3A_46 = arith.constant 0 : i32
    %dma_start3A_47 = arith.constant 0 : i32
    %dma_start3A_48 = tpu.memref_slice %arg8[%dma_start3A_44, %dma_start3A_46, %dma_start3A_47] : memref<2x80x128xf32, #tpu.memory_space<vmem>> -> memref<1x80x128xf32, #tpu.memory_space<vmem>>
    %dma_start3A_49 = tpu.memref_squeeze %dma_start3A_48 : memref<1x80x128xf32, #tpu.memory_space<vmem>> -> memref<80x128xf32, #tpu.memory_space<vmem>>
    %dma_start3A_50 = arith.constant 0 : i32
    %dma_start3A_51 = tpu.memref_slice %arg7[%dma_start3A_42, %dma_start3A_43, %dma_start3A_50] : memref<4x2x80xi32, #tpu.memory_space<vmem>> -> memref<1x1x80xi32, #tpu.memory_space<vmem>>
    %dma_start3A_52 = tpu.memref_squeeze %dma_start3A_51 : memref<1x1x80xi32, #tpu.memory_space<vmem>> -> memref<80xi32, #tpu.memory_space<vmem>>
    %dma_start3A_53 = arith.constant 0 : i32
    %dma_start3A_54 = arith.constant 0 : i32
    %dma_start3A_55 = tpu.memref_slice %arg2[%dma_start3A_53, %dma_start3A_54] : memref<10000x128xf32, #tpu.memory_space<hbm>> -> memref<10000x128xf32, #tpu.memory_space<hbm>>
    %dma_start3A_56 = tpu.memref_slice %arg11[%dma_start3A_45] : memref<2x!tpu.dma_semaphore, #tpu.memory_space<semaphore_mem>> -> memref<1x!tpu.dma_semaphore, #tpu.memory_space<semaphore_mem>>
    %dma_start3A_57 = tpu.memref_squeeze %dma_start3A_56 : memref<1x!tpu.dma_semaphore, #tpu.memory_space<semaphore_mem>> -> memref<!tpu.dma_semaphore, #tpu.memory_space<semaphore_mem>>
    tpu.enqueue_indirect_dma source(%dma_start3A_55 : memref<10000x128xf32, #tpu.memory_space<hbm>>) target(%dma_start3A_49 : memref<80x128xf32, #tpu.memory_space<vmem>>) offsets(%dma_start3A_52 : memref<80xi32, #tpu.memory_space<vmem>>) semaphore(%dma_start3A_57 : memref<!tpu.dma_semaphore, #tpu.memory_space<semaphore_mem>>)
    %scan3A_58 = arith.constant 0 : i32
    %scan3A_59 = arith.constant 0 : i32
    %scan3A_60 = arith.constant 32 : i32
    %scan3A_61 = arith.addi %scan3A_59, %scan3A_60 : i32
    %scan3A_62 = arith.constant 1 : i32
    scf.for %scan3A_102 = %scan3A_59 to %scan3A_61 step %scan3A_62  : i32 {
      %mul3A_103 = arith.constant 4 : i32
      %mul3A_104 = arith.muli %mul3A_103, %scan3A_102 : i32
      %add3A_105 = arith.constant 0 : i32
      %add3A_106 = arith.addi %mul3A_104, %add3A_105 : i32
      %lt3A = arith.constant 125 : i32
      %lt3A_107 = arith.cmpi slt, %add3A_106, %lt3A : i32
      %convert_element_type3A = arith.extui %lt3A_107 : i1 to i32
      %cond3A = arith.constant 0 : i32
      %cond3A_108 = arith.cmpi ne, %convert_element_type3A, %cond3A : i32
      scf.if %cond3A_108 {
        %get3A = arith.constant 0 : i32
        %get3A_136 = arith.constant 1 : i32
        %get3A_137 = arith.index_cast %get3A : i32 to index
        %get3A_138 = arith.index_cast %get3A_136 : i32 to index
        %get3A_139 = arith.constant 0 : index
        %get3A_140 = tpu.vector_load %arg7[%get3A_137, %get3A_138, %get3A_139] {strides = array<i32>} : memref<4x2x80xi32, #tpu.memory_space<vmem>>, vector<16xi32>,
        tpu.vector_store_idx %arg9[%get3A_140], %broadcast_in_dim3A_20 {add = true} : memref<10000xf32, #tpu.memory_space<vmem>>[vector<16xi32>], vector<16xf32>,
        %get3A_141 = arith.constant 0 : i32
        %get3A_142 = arith.constant 1 : i32
        %get3A_143 = arith.index_cast %get3A_141 : i32 to index
        %get3A_144 = arith.index_cast %get3A_142 : i32 to index
        %get3A_145 = arith.constant 16 : index
        %get3A_146 = tpu.vector_load %arg7[%get3A_143, %get3A_144, %get3A_145] {strides = array<i32>} : memref<4x2x80xi32, #tpu.memory_space<vmem>>, vector<16xi32>,
        tpu.vector_store_idx %arg9[%get3A_146], %broadcast_in_dim3A_20 {add = true} : memref<10000xf32, #tpu.memory_space<vmem>>[vector<16xi32>], vector<16xf32>,
        %get3A_147 = arith.constant 0 : i32
        %get3A_148 = arith.constant 1 : i32
        %get3A_149 = arith.index_cast %get3A_147 : i32 to index
        %get3A_150 = arith.index_cast %get3A_148 : i32 to index
        %get3A_151 = arith.constant 32 : index
        %get3A_152 = tpu.vector_load %arg7[%get3A_149, %get3A_150, %get3A_151] {strides = array<i32>} : memref<4x2x80xi32, #tpu.memory_space<vmem>>, vector<16xi32>,
        tpu.vector_store_idx %arg9[%get3A_152], %broadcast_in_dim3A_20 {add = true} : memref<10000xf32, #tpu.memory_space<vmem>>[vector<16xi32>], vector<16xf32>,
        %get3A_153 = arith.constant 0 : i32
        %get3A_154 = arith.constant 1 : i32
        %get3A_155 = arith.index_cast %get3A_153 : i32 to index
        %get3A_156 = arith.index_cast %get3A_154 : i32 to index
        %get3A_157 = arith.constant 48 : index
        %get3A_158 = tpu.vector_load %arg7[%get3A_155, %get3A_156, %get3A_157] {strides = array<i32>} : memref<4x2x80xi32, #tpu.memory_space<vmem>>, vector<16xi32>,
        tpu.vector_store_idx %arg9[%get3A_158], %broadcast_in_dim3A_20 {add = true} : memref<10000xf32, #tpu.memory_space<vmem>>[vector<16xi32>], vector<16xf32>,
        %get3A_159 = arith.constant 0 : i32
        %get3A_160 = arith.constant 1 : i32
        %get3A_161 = arith.index_cast %get3A_159 : i32 to index
        %get3A_162 = arith.index_cast %get3A_160 : i32 to index
        %get3A_163 = arith.constant 64 : index
        %get3A_164 = tpu.vector_load %arg7[%get3A_161, %get3A_162, %get3A_163] {strides = array<i32>} : memref<4x2x80xi32, #tpu.memory_space<vmem>>, vector<16xi32>,
        tpu.vector_store_idx %arg9[%get3A_164], %broadcast_in_dim3A_20 {add = true} : memref<10000xf32, #tpu.memory_space<vmem>>[vector<16xi32>], vector<16xf32>,
        %dma_wait3A_165 = arith.constant 0 : i32
        %dma_wait3A_166 = arith.constant 0 : i32
        %dma_wait3A_167 = arith.constant 0 : i32
        %dma_wait3A_168 = arith.constant 0 : i32
        %dma_wait3A_169 = arith.constant 0 : i32
        %dma_wait3A_170 = arith.constant 0 : i32
        %dma_wait3A_171 = tpu.memref_slice %arg8[%dma_wait3A_167, %dma_wait3A_169, %dma_wait3A_170] : memref<2x80x128xf32, #tpu.memory_space<vmem>> -> memref<1x80x128xf32, #tpu.memory_space<vmem>>
        %dma_wait3A_172 = tpu.memref_squeeze %dma_wait3A_171 : memref<1x80x128xf32, #tpu.memory_space<vmem>> -> memref<80x128xf32, #tpu.memory_space<vmem>>
        %dma_wait3A_173 = arith.constant 0 : i32
        %dma_wait3A_174 = tpu.memref_slice %arg7[%dma_wait3A_165, %dma_wait3A_166, %dma_wait3A_173] : memref<4x2x80xi32, #tpu.memory_space<vmem>> -> memref<1x1x80xi32, #tpu.memory_space<vmem>>
        %dma_wait3A_175 = tpu.memref_squeeze %dma_wait3A_174 : memref<1x1x80xi32, #tpu.memory_space<vmem>> -> memref<80xi32, #tpu.memory_space<vmem>>
        %dma_wait3A_176 = arith.constant 0 : i32
        %dma_wait3A_177 = arith.constant 0 : i32
        %dma_wait3A_178 = tpu.memref_slice %arg2[%dma_wait3A_176, %dma_wait3A_177] : memref<10000x128xf32, #tpu.memory_space<hbm>> -> memref<10000x128xf32, #tpu.memory_space<hbm>>
        %dma_wait3A_179 = tpu.memref_slice %arg11[%dma_wait3A_168] : memref<2x!tpu.dma_semaphore, #tpu.memory_space<semaphore_mem>> -> memref<1x!tpu.dma_semaphore, #tpu.memory_space<semaphore_mem>>
        %dma_wait3A_180 = tpu.memref_squeeze %dma_wait3A_179 : memref<1x!tpu.dma_semaphore, #tpu.memory_space<semaphore_mem>> -> memref<!tpu.dma_semaphore, #tpu.memory_space<semaphore_mem>>
        tpu.wait_indirect_dma semaphore(%dma_wait3A_180 : memref<!tpu.dma_semaphore, #tpu.memory_space<semaphore_mem>>) src(%dma_wait3A_178 : memref<10000x128xf32, #tpu.memory_space<hbm>>) dst(%dma_wait3A_172 : memref<80x128xf32, #tpu.memory_space<vmem>>)
        %dma_start3A_181 = arith.constant 0 : i32
        %dma_start3A_182 = arith.constant 0 : i32
        %dma_start3A_183 = arith.constant 1 : i32
        %dma_start3A_184 = arith.constant 0 : i32
        %dma_start3A_185 = arith.constant 0 : i32
        %dma_start3A_186 = arith.constant 0 : i32
        %dma_start3A_187 = tpu.memref_slice %arg8[%dma_start3A_181, %dma_start3A_185, %dma_start3A_186] : memref<2x80x128xf32, #tpu.memory_space<vmem>> -> memref<1x80x128xf32, #tpu.memory_space<vmem>>
        %dma_start3A_188 = tpu.memref_squeeze %dma_start3A_187 : memref<1x80x128xf32, #tpu.memory_space<vmem>> -> memref<80x128xf32, #tpu.memory_space<vmem>>
        %dma_start3A_189 = arith.constant 0 : i32
        %dma_start3A_190 = tpu.memref_slice %arg7[%dma_start3A_182, %dma_start3A_183, %dma_start3A_189] : memref<4x2x80xi32, #tpu.memory_space<vmem>> -> memref<1x1x80xi32, #tpu.memory_space<vmem>>
        %dma_start3A_191 = tpu.memref_squeeze %dma_start3A_190 : memref<1x1x80xi32, #tpu.memory_space<vmem>> -> memref<80xi32, #tpu.memory_space<vmem>>
        %dma_start3A_192 = arith.constant 0 : i32
        %dma_start3A_193 = arith.constant 0 : i32
        %dma_start3A_194 = tpu.memref_slice %arg6[%dma_start3A_192, %dma_start3A_193] : memref<10000x128xf32, #tpu.memory_space<vmem_shared>> -> memref<10000x128xf32, #tpu.memory_space<vmem_shared>>
        %dma_start3A_195 = tpu.memref_slice %arg12[%dma_start3A_184] : memref<2x!tpu.dma_semaphore, #tpu.memory_space<semaphore_mem>> -> memref<1x!tpu.dma_semaphore, #tpu.memory_space<semaphore_mem>>
        %dma_start3A_196 = tpu.memref_squeeze %dma_start3A_195 : memref<1x!tpu.dma_semaphore, #tpu.memory_space<semaphore_mem>> -> memref<!tpu.dma_semaphore, #tpu.memory_space<semaphore_mem>>
        tpu.enqueue_indirect_dma source(%dma_start3A_188 : memref<80x128xf32, #tpu.memory_space<vmem>>) target(%dma_start3A_194 : memref<10000x128xf32, #tpu.memory_space<vmem_shared>>) offsets(%dma_start3A_191 : memref<80xi32, #tpu.memory_space<vmem>>) semaphore(%dma_start3A_196 : memref<!tpu.dma_semaphore, #tpu.memory_space<semaphore_mem>>) {add = true}
        %add3A_197 = arith.constant 2 : i32
        %add3A_198 = arith.addi %add3A_106, %add3A_197 : i32
        %lt3A_199 = arith.constant 125 : i32
        %lt3A_200 = arith.cmpi slt, %add3A_198, %lt3A_199 : i32
        %convert_element_type3A_201 = arith.extui %lt3A_200 : i1 to i32
        %cond3A_202 = arith.constant 0 : i32
        %cond3A_203 = arith.cmpi ne, %convert_element_type3A_201, %cond3A_202 : i32
        scf.if %cond3A_203 {
          %add3A_211 = arith.constant 2 : i32
          %add3A_212 = arith.addi %add3A_106, %add3A_211 : i32
          %dma_start3A_213 = arith.constant 2 : i32
          %dma_start3A_214 = arith.constant 2 : i32
          %dma_start3A_215 = arith.constant 0 : i32
          %dma_start3A_216 = arith.constant 0 : i32
          %dma_start3A_217 = tpu.memref_slice %arg7[%dma_start3A_213, %dma_start3A_215, %dma_start3A_216] : memref<4x2x80xi32, #tpu.memory_space<vmem>> -> memref<1x2x80xi32, #tpu.memory_space<vmem>>
          %dma_start3A_218 = tpu.memref_squeeze %dma_start3A_217 : memref<1x2x80xi32, #tpu.memory_space<vmem>> -> memref<2x80xi32, #tpu.memory_space<vmem>>
          %dma_start3A_219 = arith.constant 0 : i32
          %dma_start3A_220 = arith.constant 0 : i32
          %dma_start3A_221 = tpu.memref_slice %arg3[%add3A, %add3A_212, %dma_start3A_219, %dma_start3A_220] : memref<32x125x2x80xi32, #tpu.memory_space<hbm>> -> memref<1x1x2x80xi32, #tpu.memory_space<hbm>>
          %dma_start3A_222 = tpu.memref_squeeze %dma_start3A_221 : memref<1x1x2x80xi32, #tpu.memory_space<hbm>> -> memref<2x80xi32, #tpu.memory_space<hbm>>
          %dma_start3A_223 = tpu.memref_slice %arg13[%dma_start3A_214] : memref<4x!tpu.dma_semaphore, #tpu.memory_space<semaphore_mem>> -> memref<1x!tpu.dma_semaphore, #tpu.memory_space<semaphore_mem>>
          %dma_start3A_224 = tpu.memref_squeeze %dma_start3A_223 : memref<1x!tpu.dma_semaphore, #tpu.memory_space<semaphore_mem>> -> memref<!tpu.dma_semaphore, #tpu.memory_space<semaphore_mem>>
          %dma_start3A_225 = arith.constant 0 : i32
          %dma_start3A_226 = arith.constant 0 : i32
          %dma_start3A_227 = tpu.memref_slice %arg7[%dma_start3A_213, %dma_start3A_225, %dma_start3A_226] : memref<4x2x80xi32, #tpu.memory_space<vmem>> -> memref<1x2x80xi32, #tpu.memory_space<vmem>>
          %dma_start3A_228 = tpu.memref_squeeze %dma_start3A_227 : memref<1x2x80xi32, #tpu.memory_space<vmem>> -> memref<2x80xi32, #tpu.memory_space<vmem>>
          %dma_start3A_229 = arith.constant 0 : i32
          %dma_start3A_230 = arith.constant 0 : i32
          %dma_start3A_231 = tpu.memref_slice %arg3[%add3A, %add3A_212, %dma_start3A_229, %dma_start3A_230] : memref<32x125x2x80xi32, #tpu.memory_space<hbm>> -> memref<1x1x2x80xi32, #tpu.memory_space<hbm>>
          %dma_start3A_232 = tpu.memref_squeeze %dma_start3A_231 : memref<1x1x2x80xi32, #tpu.memory_space<hbm>> -> memref<2x80xi32, #tpu.memory_space<hbm>>
          tpu.enqueue_dma source(%dma_start3A_232 : memref<2x80xi32, #tpu.memory_space<hbm>>) target(%dma_start3A_228 : memref<2x80xi32, #tpu.memory_space<vmem>>) target_semaphore(%dma_start3A_224 : memref<!tpu.dma_semaphore, #tpu.memory_space<semaphore_mem>>)
        } else {
        }
        %add3A_204 = arith.constant 1 : i32
        %add3A_205 = arith.addi %add3A_106, %add3A_204 : i32
        %lt3A_206 = arith.constant 125 : i32
        %lt3A_207 = arith.cmpi slt, %add3A_205, %lt3A_206 : i32
        %convert_element_type3A_208 = arith.extui %lt3A_207 : i1 to i32
        %cond3A_209 = arith.constant 0 : i32
        %cond3A_210 = arith.cmpi ne, %convert_element_type3A_208, %cond3A_209 : i32
        scf.if %cond3A_210 {
          %ge3A = arith.constant 2 : i32
          %ge3A_211 = arith.cmpi sge, %add3A_205, %ge3A : i32
          %convert_element_type3A_212 = arith.extui %ge3A_211 : i1 to i32
          %cond3A_213 = arith.constant 0 : i32
          %cond3A_214 = arith.cmpi ne, %convert_element_type3A_212, %cond3A_213 : i32
          scf.if %cond3A_214 {
            %dma_wait3A_251 = arith.constant 1 : i32
            %dma_wait3A_252 = arith.constant 3 : i32
            %dma_wait3A_253 = arith.constant 1 : i32
            %dma_wait3A_254 = arith.constant 1 : i32
            %dma_wait3A_255 = arith.constant 0 : i32
            %dma_wait3A_256 = arith.constant 0 : i32
            %dma_wait3A_257 = tpu.memref_slice %arg8[%dma_wait3A_251, %dma_wait3A_255, %dma_wait3A_256] : memref<2x80x128xf32, #tpu.memory_space<vmem>> -> memref<1x80x128xf32, #tpu.memory_space<vmem>>
            %dma_wait3A_258 = tpu.memref_squeeze %dma_wait3A_257 : memref<1x80x128xf32, #tpu.memory_space<vmem>> -> memref<80x128xf32, #tpu.memory_space<vmem>>
            %dma_wait3A_259 = arith.constant 0 : i32
            %dma_wait3A_260 = tpu.memref_slice %arg7[%dma_wait3A_252, %dma_wait3A_253, %dma_wait3A_259] : memref<4x2x80xi32, #tpu.memory_space<vmem>> -> memref<1x1x80xi32, #tpu.memory_space<vmem>>
            %dma_wait3A_261 = tpu.memref_squeeze %dma_wait3A_260 : memref<1x1x80xi32, #tpu.memory_space<vmem>> -> memref<80xi32, #tpu.memory_space<vmem>>
            %dma_wait3A_262 = arith.constant 0 : i32
            %dma_wait3A_263 = arith.constant 0 : i32
            %dma_wait3A_264 = tpu.memref_slice %arg6[%dma_wait3A_262, %dma_wait3A_263] : memref<10000x128xf32, #tpu.memory_space<vmem_shared>> -> memref<10000x128xf32, #tpu.memory_space<vmem_shared>>
            %dma_wait3A_265 = tpu.memref_slice %arg12[%dma_wait3A_254] : memref<2x!tpu.dma_semaphore, #tpu.memory_space<semaphore_mem>> -> memref<1x!tpu.dma_semaphore, #tpu.memory_space<semaphore_mem>>
            %dma_wait3A_266 = tpu.memref_squeeze %dma_wait3A_265 : memref<1x!tpu.dma_semaphore, #tpu.memory_space<semaphore_mem>> -> memref<!tpu.dma_semaphore, #tpu.memory_space<semaphore_mem>>
            tpu.wait_indirect_dma semaphore(%dma_wait3A_266 : memref<!tpu.dma_semaphore, #tpu.memory_space<semaphore_mem>>) src(%dma_wait3A_258 : memref<80x128xf32, #tpu.memory_space<vmem>>) dst(%dma_wait3A_264 : memref<10000x128xf32, #tpu.memory_space<vmem_shared>>)
          } else {
          }
          %dma_wait3A_215 = arith.constant 1 : i32
          %dma_wait3A_216 = arith.constant 1 : i32
          %dma_wait3A_217 = arith.constant 0 : i32
          %dma_wait3A_218 = arith.constant 0 : i32
          %dma_wait3A_219 = tpu.memref_slice %arg7[%dma_wait3A_215, %dma_wait3A_217, %dma_wait3A_218] : memref<4x2x80xi32, #tpu.memory_space<vmem>> -> memref<1x2x80xi32, #tpu.memory_space<vmem>>
          %dma_wait3A_220 = tpu.memref_squeeze %dma_wait3A_219 : memref<1x2x80xi32, #tpu.memory_space<vmem>> -> memref<2x80xi32, #tpu.memory_space<vmem>>
          %dma_wait3A_221 = arith.constant 0 : i32
          %dma_wait3A_222 = arith.constant 0 : i32
          %dma_wait3A_223 = tpu.memref_slice %arg3[%add3A, %add3A_205, %dma_wait3A_221, %dma_wait3A_222] : memref<32x125x2x80xi32, #tpu.memory_space<hbm>> -> memref<1x1x2x80xi32, #tpu.memory_space<hbm>>
          %dma_wait3A_224 = tpu.memref_squeeze %dma_wait3A_223 : memref<1x1x2x80xi32, #tpu.memory_space<hbm>> -> memref<2x80xi32, #tpu.memory_space<hbm>>
          %dma_wait3A_225 = tpu.memref_slice %arg13[%dma_wait3A_216] : memref<4x!tpu.dma_semaphore, #tpu.memory_space<semaphore_mem>> -> memref<1x!tpu.dma_semaphore, #tpu.memory_space<semaphore_mem>>
          %dma_wait3A_226 = tpu.memref_squeeze %dma_wait3A_225 : memref<1x!tpu.dma_semaphore, #tpu.memory_space<semaphore_mem>> -> memref<!tpu.dma_semaphore, #tpu.memory_space<semaphore_mem>>
          %dma_wait3A_227 = arith.constant 0 : i32
          %dma_wait3A_228 = arith.constant 0 : i32
          %dma_wait3A_229 = tpu.memref_slice %arg7[%dma_wait3A_215, %dma_wait3A_227, %dma_wait3A_228] : memref<4x2x80xi32, #tpu.memory_space<vmem>> -> memref<1x2x80xi32, #tpu.memory_space<vmem>>
          %dma_wait3A_230 = tpu.memref_squeeze %dma_wait3A_229 : memref<1x2x80xi32, #tpu.memory_space<vmem>> -> memref<2x80xi32, #tpu.memory_space<vmem>>
          %dma_wait3A_231 = arith.constant 0 : i32
          %dma_wait3A_232 = arith.constant 0 : i32
          %dma_wait3A_233 = tpu.memref_slice %arg3[%add3A, %add3A_205, %dma_wait3A_231, %dma_wait3A_232] : memref<32x125x2x80xi32, #tpu.memory_space<hbm>> -> memref<1x1x2x80xi32, #tpu.memory_space<hbm>>
          %dma_wait3A_234 = tpu.memref_squeeze %dma_wait3A_233 : memref<1x1x2x80xi32, #tpu.memory_space<hbm>> -> memref<2x80xi32, #tpu.memory_space<hbm>>
          tpu.wait_dma2 semaphore(%dma_wait3A_226 : memref<!tpu.dma_semaphore, #tpu.memory_space<semaphore_mem>>) src(%dma_wait3A_234 : memref<2x80xi32, #tpu.memory_space<hbm>>) dst(%dma_wait3A_230 : memref<2x80xi32, #tpu.memory_space<vmem>>)
          %dma_start3A_235 = arith.constant 1 : i32
          %dma_start3A_236 = arith.constant 0 : i32
          %dma_start3A_237 = arith.constant 1 : i32
          %dma_start3A_238 = arith.constant 1 : i32
          %dma_start3A_239 = arith.constant 0 : i32
          %dma_start3A_240 = arith.constant 0 : i32
          %dma_start3A_241 = tpu.memref_slice %arg8[%dma_start3A_237, %dma_start3A_239, %dma_start3A_240] : memref<2x80x128xf32, #tpu.memory_space<vmem>> -> memref<1x80x128xf32, #tpu.memory_space<vmem>>
          %dma_start3A_242 = tpu.memref_squeeze %dma_start3A_241 : memref<1x80x128xf32, #tpu.memory_space<vmem>> -> memref<80x128xf32, #tpu.memory_space<vmem>>
          %dma_start3A_243 = arith.constant 0 : i32
          %dma_start3A_244 = tpu.memref_slice %arg7[%dma_start3A_235, %dma_start3A_236, %dma_start3A_243] : memref<4x2x80xi32, #tpu.memory_space<vmem>> -> memref<1x1x80xi32, #tpu.memory_space<vmem>>
          %dma_start3A_245 = tpu.memref_squeeze %dma_start3A_244 : memref<1x1x80xi32, #tpu.memory_space<vmem>> -> memref<80xi32, #tpu.memory_space<vmem>>
          %dma_start3A_246 = arith.constant 0 : i32
          %dma_start3A_247 = arith.constant 0 : i32
          %dma_start3A_248 = tpu.memref_slice %arg2[%dma_start3A_246, %dma_start3A_247] : memref<10000x128xf32, #tpu.memory_space<hbm>> -> memref<10000x128xf32, #tpu.memory_space<hbm>>
          %dma_start3A_249 = tpu.memref_slice %arg11[%dma_start3A_238] : memref<2x!tpu.dma_semaphore, #tpu.memory_space<semaphore_mem>> -> memref<1x!tpu.dma_semaphore, #tpu.memory_space<semaphore_mem>>
          %dma_start3A_250 = tpu.memref_squeeze %dma_start3A_249 : memref<1x!tpu.dma_semaphore, #tpu.memory_space<semaphore_mem>> -> memref<!tpu.dma_semaphore, #tpu.memory_space<semaphore_mem>>
          tpu.enqueue_indirect_dma source(%dma_start3A_248 : memref<10000x128xf32, #tpu.memory_space<hbm>>) target(%dma_start3A_242 : memref<80x128xf32, #tpu.memory_space<vmem>>) offsets(%dma_start3A_245 : memref<80xi32, #tpu.memory_space<vmem>>) semaphore(%dma_start3A_250 : memref<!tpu.dma_semaphore, #tpu.memory_space<semaphore_mem>>)
        } else {
        }
      } else {
      }
      %mul3A_109 = arith.constant 4 : i32
      %mul3A_110 = arith.muli %mul3A_109, %scan3A_102 : i32
      %add3A_111 = arith.constant 1 : i32
      %add3A_112 = arith.addi %mul3A_110, %add3A_111 : i32
      %lt3A_113 = arith.constant 125 : i32
      %lt3A_114 = arith.cmpi slt, %add3A_112, %lt3A_113 : i32
      %convert_element_type3A_115 = arith.extui %lt3A_114 : i1 to i32
      %cond3A_116 = arith.constant 0 : i32
      %cond3A_117 = arith.cmpi ne, %convert_element_type3A_115, %cond3A_116 : i32
      scf.if %cond3A_117 {
        %get3A = arith.constant 1 : i32
        %get3A_136 = arith.constant 1 : i32
        %get3A_137 = arith.index_cast %get3A : i32 to index
        %get3A_138 = arith.index_cast %get3A_136 : i32 to index
        %get3A_139 = arith.constant 0 : index
        %get3A_140 = tpu.vector_load %arg7[%get3A_137, %get3A_138, %get3A_139] {strides = array<i32>} : memref<4x2x80xi32, #tpu.memory_space<vmem>>, vector<16xi32>,
        tpu.vector_store_idx %arg9[%get3A_140], %broadcast_in_dim3A_20 {add = true} : memref<10000xf32, #tpu.memory_space<vmem>>[vector<16xi32>], vector<16xf32>,
        %get3A_141 = arith.constant 1 : i32
        %get3A_142 = arith.constant 1 : i32
        %get3A_143 = arith.index_cast %get3A_141 : i32 to index
        %get3A_144 = arith.index_cast %get3A_142 : i32 to index
        %get3A_145 = arith.constant 16 : index
        %get3A_146 = tpu.vector_load %arg7[%get3A_143, %get3A_144, %get3A_145] {strides = array<i32>} : memref<4x2x80xi32, #tpu.memory_space<vmem>>, vector<16xi32>,
        tpu.vector_store_idx %arg9[%get3A_146], %broadcast_in_dim3A_20 {add = true} : memref<10000xf32, #tpu.memory_space<vmem>>[vector<16xi32>], vector<16xf32>,
        %get3A_147 = arith.constant 1 : i32
        %get3A_148 = arith.constant 1 : i32
        %get3A_149 = arith.index_cast %get3A_147 : i32 to index
        %get3A_150 = arith.index_cast %get3A_148 : i32 to index
        %get3A_151 = arith.constant 32 : index
        %get3A_152 = tpu.vector_load %arg7[%get3A_149, %get3A_150, %get3A_151] {strides = array<i32>} : memref<4x2x80xi32, #tpu.memory_space<vmem>>, vector<16xi32>,
        tpu.vector_store_idx %arg9[%get3A_152], %broadcast_in_dim3A_20 {add = true} : memref<10000xf32, #tpu.memory_space<vmem>>[vector<16xi32>], vector<16xf32>,
        %get3A_153 = arith.constant 1 : i32
        %get3A_154 = arith.constant 1 : i32
        %get3A_155 = arith.index_cast %get3A_153 : i32 to index
        %get3A_156 = arith.index_cast %get3A_154 : i32 to index
        %get3A_157 = arith.constant 48 : index
        %get3A_158 = tpu.vector_load %arg7[%get3A_155, %get3A_156, %get3A_157] {strides = array<i32>} : memref<4x2x80xi32, #tpu.memory_space<vmem>>, vector<16xi32>,
        tpu.vector_store_idx %arg9[%get3A_158], %broadcast_in_dim3A_20 {add = true} : memref<10000xf32, #tpu.memory_space<vmem>>[vector<16xi32>], vector<16xf32>,
        %get3A_159 = arith.constant 1 : i32
        %get3A_160 = arith.constant 1 : i32
        %get3A_161 = arith.index_cast %get3A_159 : i32 to index
        %get3A_162 = arith.index_cast %get3A_160 : i32 to index
        %get3A_163 = arith.constant 64 : index
        %get3A_164 = tpu.vector_load %arg7[%get3A_161, %get3A_162, %get3A_163] {strides = array<i32>} : memref<4x2x80xi32, #tpu.memory_space<vmem>>, vector<16xi32>,
        tpu.vector_store_idx %arg9[%get3A_164], %broadcast_in_dim3A_20 {add = true} : memref<10000xf32, #tpu.memory_space<vmem>>[vector<16xi32>], vector<16xf32>,
        %dma_wait3A_165 = arith.constant 1 : i32
        %dma_wait3A_166 = arith.constant 0 : i32
        %dma_wait3A_167 = arith.constant 1 : i32
        %dma_wait3A_168 = arith.constant 1 : i32
        %dma_wait3A_169 = arith.constant 0 : i32
        %dma_wait3A_170 = arith.constant 0 : i32
        %dma_wait3A_171 = tpu.memref_slice %arg8[%dma_wait3A_167, %dma_wait3A_169, %dma_wait3A_170] : memref<2x80x128xf32, #tpu.memory_space<vmem>> -> memref<1x80x128xf32, #tpu.memory_space<vmem>>
        %dma_wait3A_172 = tpu.memref_squeeze %dma_wait3A_171 : memref<1x80x128xf32, #tpu.memory_space<vmem>> -> memref<80x128xf32, #tpu.memory_space<vmem>>
        %dma_wait3A_173 = arith.constant 0 : i32
        %dma_wait3A_174 = tpu.memref_slice %arg7[%dma_wait3A_165, %dma_wait3A_166, %dma_wait3A_173] : memref<4x2x80xi32, #tpu.memory_space<vmem>> -> memref<1x1x80xi32, #tpu.memory_space<vmem>>
        %dma_wait3A_175 = tpu.memref_squeeze %dma_wait3A_174 : memref<1x1x80xi32, #tpu.memory_space<vmem>> -> memref<80xi32, #tpu.memory_space<vmem>>
        %dma_wait3A_176 = arith.constant 0 : i32
        %dma_wait3A_177 = arith.constant 0 : i32
        %dma_wait3A_178 = tpu.memref_slice %arg2[%dma_wait3A_176, %dma_wait3A_177] : memref<10000x128xf32, #tpu.memory_space<hbm>> -> memref<10000x128xf32, #tpu.memory_space<hbm>>
        %dma_wait3A_179 = tpu.memref_slice %arg11[%dma_wait3A_168] : memref<2x!tpu.dma_semaphore, #tpu.memory_space<semaphore_mem>> -> memref<1x!tpu.dma_semaphore, #tpu.memory_space<semaphore_mem>>
        %dma_wait3A_180 = tpu.memref_squeeze %dma_wait3A_179 : memref<1x!tpu.dma_semaphore, #tpu.memory_space<semaphore_mem>> -> memref<!tpu.dma_semaphore, #tpu.memory_space<semaphore_mem>>
        tpu.wait_indirect_dma semaphore(%dma_wait3A_180 : memref<!tpu.dma_semaphore, #tpu.memory_space<semaphore_mem>>) src(%dma_wait3A_178 : memref<10000x128xf32, #tpu.memory_space<hbm>>) dst(%dma_wait3A_172 : memref<80x128xf32, #tpu.memory_space<vmem>>)
        %dma_start3A_181 = arith.constant 1 : i32
        %dma_start3A_182 = arith.constant 1 : i32
        %dma_start3A_183 = arith.constant 1 : i32
        %dma_start3A_184 = arith.constant 1 : i32
        %dma_start3A_185 = arith.constant 0 : i32
        %dma_start3A_186 = arith.constant 0 : i32
        %dma_start3A_187 = tpu.memref_slice %arg8[%dma_start3A_181, %dma_start3A_185, %dma_start3A_186] : memref<2x80x128xf32, #tpu.memory_space<vmem>> -> memref<1x80x128xf32, #tpu.memory_space<vmem>>
        %dma_start3A_188 = tpu.memref_squeeze %dma_start3A_187 : memref<1x80x128xf32, #tpu.memory_space<vmem>> -> memref<80x128xf32, #tpu.memory_space<vmem>>
        %dma_start3A_189 = arith.constant 0 : i32
        %dma_start3A_190 = tpu.memref_slice %arg7[%dma_start3A_182, %dma_start3A_183, %dma_start3A_189] : memref<4x2x80xi32, #tpu.memory_space<vmem>> -> memref<1x1x80xi32, #tpu.memory_space<vmem>>
        %dma_start3A_191 = tpu.memref_squeeze %dma_start3A_190 : memref<1x1x80xi32, #tpu.memory_space<vmem>> -> memref<80xi32, #tpu.memory_space<vmem>>
        %dma_start3A_192 = arith.constant 0 : i32
        %dma_start3A_193 = arith.constant 0 : i32
        %dma_start3A_194 = tpu.memref_slice %arg6[%dma_start3A_192, %dma_start3A_193] : memref<10000x128xf32, #tpu.memory_space<vmem_shared>> -> memref<10000x128xf32, #tpu.memory_space<vmem_shared>>
        %dma_start3A_195 = tpu.memref_slice %arg12[%dma_start3A_184] : memref<2x!tpu.dma_semaphore, #tpu.memory_space<semaphore_mem>> -> memref<1x!tpu.dma_semaphore, #tpu.memory_space<semaphore_mem>>
        %dma_start3A_196 = tpu.memref_squeeze %dma_start3A_195 : memref<1x!tpu.dma_semaphore, #tpu.memory_space<semaphore_mem>> -> memref<!tpu.dma_semaphore, #tpu.memory_space<semaphore_mem>>
        tpu.enqueue_indirect_dma source(%dma_start3A_188 : memref<80x128xf32, #tpu.memory_space<vmem>>) target(%dma_start3A_194 : memref<10000x128xf32, #tpu.memory_space<vmem_shared>>) offsets(%dma_start3A_191 : memref<80xi32, #tpu.memory_space<vmem>>) semaphore(%dma_start3A_196 : memref<!tpu.dma_semaphore, #tpu.memory_space<semaphore_mem>>) {add = true}
        %add3A_197 = arith.constant 2 : i32
        %add3A_198 = arith.addi %add3A_112, %add3A_197 : i32
        %lt3A_199 = arith.constant 125 : i32
        %lt3A_200 = arith.cmpi slt, %add3A_198, %lt3A_199 : i32
        %convert_element_type3A_201 = arith.extui %lt3A_200 : i1 to i32
        %cond3A_202 = arith.constant 0 : i32
        %cond3A_203 = arith.cmpi ne, %convert_element_type3A_201, %cond3A_202 : i32
        scf.if %cond3A_203 {
          %add3A_211 = arith.constant 2 : i32
          %add3A_212 = arith.addi %add3A_112, %add3A_211 : i32
          %dma_start3A_213 = arith.constant 3 : i32
          %dma_start3A_214 = arith.constant 3 : i32
          %dma_start3A_215 = arith.constant 0 : i32
          %dma_start3A_216 = arith.constant 0 : i32
          %dma_start3A_217 = tpu.memref_slice %arg7[%dma_start3A_213, %dma_start3A_215, %dma_start3A_216] : memref<4x2x80xi32, #tpu.memory_space<vmem>> -> memref<1x2x80xi32, #tpu.memory_space<vmem>>
          %dma_start3A_218 = tpu.memref_squeeze %dma_start3A_217 : memref<1x2x80xi32, #tpu.memory_space<vmem>> -> memref<2x80xi32, #tpu.memory_space<vmem>>
          %dma_start3A_219 = arith.constant 0 : i32
          %dma_start3A_220 = arith.constant 0 : i32
          %dma_start3A_221 = tpu.memref_slice %arg3[%add3A, %add3A_212, %dma_start3A_219, %dma_start3A_220] : memref<32x125x2x80xi32, #tpu.memory_space<hbm>> -> memref<1x1x2x80xi32, #tpu.memory_space<hbm>>
          %dma_start3A_222 = tpu.memref_squeeze %dma_start3A_221 : memref<1x1x2x80xi32, #tpu.memory_space<hbm>> -> memref<2x80xi32, #tpu.memory_space<hbm>>
          %dma_start3A_223 = tpu.memref_slice %arg13[%dma_start3A_214] : memref<4x!tpu.dma_semaphore, #tpu.memory_space<semaphore_mem>> -> memref<1x!tpu.dma_semaphore, #tpu.memory_space<semaphore_mem>>
          %dma_start3A_224 = tpu.memref_squeeze %dma_start3A_223 : memref<1x!tpu.dma_semaphore, #tpu.memory_space<semaphore_mem>> -> memref<!tpu.dma_semaphore, #tpu.memory_space<semaphore_mem>>
          %dma_start3A_225 = arith.constant 0 : i32
          %dma_start3A_226 = arith.constant 0 : i32
          %dma_start3A_227 = tpu.memref_slice %arg7[%dma_start3A_213, %dma_start3A_225, %dma_start3A_226] : memref<4x2x80xi32, #tpu.memory_space<vmem>> -> memref<1x2x80xi32, #tpu.memory_space<vmem>>
          %dma_start3A_228 = tpu.memref_squeeze %dma_start3A_227 : memref<1x2x80xi32, #tpu.memory_space<vmem>> -> memref<2x80xi32, #tpu.memory_space<vmem>>
          %dma_start3A_229 = arith.constant 0 : i32
          %dma_start3A_230 = arith.constant 0 : i32
          %dma_start3A_231 = tpu.memref_slice %arg3[%add3A, %add3A_212, %dma_start3A_229, %dma_start3A_230] : memref<32x125x2x80xi32, #tpu.memory_space<hbm>> -> memref<1x1x2x80xi32, #tpu.memory_space<hbm>>
          %dma_start3A_232 = tpu.memref_squeeze %dma_start3A_231 : memref<1x1x2x80xi32, #tpu.memory_space<hbm>> -> memref<2x80xi32, #tpu.memory_space<hbm>>
          tpu.enqueue_dma source(%dma_start3A_232 : memref<2x80xi32, #tpu.memory_space<hbm>>) target(%dma_start3A_228 : memref<2x80xi32, #tpu.memory_space<vmem>>) target_semaphore(%dma_start3A_224 : memref<!tpu.dma_semaphore, #tpu.memory_space<semaphore_mem>>)
        } else {
        }
        %add3A_204 = arith.constant 1 : i32
        %add3A_205 = arith.addi %add3A_112, %add3A_204 : i32
        %lt3A_206 = arith.constant 125 : i32
        %lt3A_207 = arith.cmpi slt, %add3A_205, %lt3A_206 : i32
        %convert_element_type3A_208 = arith.extui %lt3A_207 : i1 to i32
        %cond3A_209 = arith.constant 0 : i32
        %cond3A_210 = arith.cmpi ne, %convert_element_type3A_208, %cond3A_209 : i32
        scf.if %cond3A_210 {
          %ge3A = arith.constant 2 : i32
          %ge3A_211 = arith.cmpi sge, %add3A_205, %ge3A : i32
          %convert_element_type3A_212 = arith.extui %ge3A_211 : i1 to i32
          %cond3A_213 = arith.constant 0 : i32
          %cond3A_214 = arith.cmpi ne, %convert_element_type3A_212, %cond3A_213 : i32
          scf.if %cond3A_214 {
            %dma_wait3A_251 = arith.constant 0 : i32
            %dma_wait3A_252 = arith.constant 0 : i32
            %dma_wait3A_253 = arith.constant 1 : i32
            %dma_wait3A_254 = arith.constant 0 : i32
            %dma_wait3A_255 = arith.constant 0 : i32
            %dma_wait3A_256 = arith.constant 0 : i32
            %dma_wait3A_257 = tpu.memref_slice %arg8[%dma_wait3A_251, %dma_wait3A_255, %dma_wait3A_256] : memref<2x80x128xf32, #tpu.memory_space<vmem>> -> memref<1x80x128xf32, #tpu.memory_space<vmem>>
            %dma_wait3A_258 = tpu.memref_squeeze %dma_wait3A_257 : memref<1x80x128xf32, #tpu.memory_space<vmem>> -> memref<80x128xf32, #tpu.memory_space<vmem>>
            %dma_wait3A_259 = arith.constant 0 : i32
            %dma_wait3A_260 = tpu.memref_slice %arg7[%dma_wait3A_252, %dma_wait3A_253, %dma_wait3A_259] : memref<4x2x80xi32, #tpu.memory_space<vmem>> -> memref<1x1x80xi32, #tpu.memory_space<vmem>>
            %dma_wait3A_261 = tpu.memref_squeeze %dma_wait3A_260 : memref<1x1x80xi32, #tpu.memory_space<vmem>> -> memref<80xi32, #tpu.memory_space<vmem>>
            %dma_wait3A_262 = arith.constant 0 : i32
            %dma_wait3A_263 = arith.constant 0 : i32
            %dma_wait3A_264 = tpu.memref_slice %arg6[%dma_wait3A_262, %dma_wait3A_263] : memref<10000x128xf32, #tpu.memory_space<vmem_shared>> -> memref<10000x128xf32, #tpu.memory_space<vmem_shared>>
            %dma_wait3A_265 = tpu.memref_slice %arg12[%dma_wait3A_254] : memref<2x!tpu.dma_semaphore, #tpu.memory_space<semaphore_mem>> -> memref<1x!tpu.dma_semaphore, #tpu.memory_space<semaphore_mem>>
            %dma_wait3A_266 = tpu.memref_squeeze %dma_wait3A_265 : memref<1x!tpu.dma_semaphore, #tpu.memory_space<semaphore_mem>> -> memref<!tpu.dma_semaphore, #tpu.memory_space<semaphore_mem>>
            tpu.wait_indirect_dma semaphore(%dma_wait3A_266 : memref<!tpu.dma_semaphore, #tpu.memory_space<semaphore_mem>>) src(%dma_wait3A_258 : memref<80x128xf32, #tpu.memory_space<vmem>>) dst(%dma_wait3A_264 : memref<10000x128xf32, #tpu.memory_space<vmem_shared>>)
          } else {
          }
          %dma_wait3A_215 = arith.constant 2 : i32
          %dma_wait3A_216 = arith.constant 2 : i32
          %dma_wait3A_217 = arith.constant 0 : i32
          %dma_wait3A_218 = arith.constant 0 : i32
          %dma_wait3A_219 = tpu.memref_slice %arg7[%dma_wait3A_215, %dma_wait3A_217, %dma_wait3A_218] : memref<4x2x80xi32, #tpu.memory_space<vmem>> -> memref<1x2x80xi32, #tpu.memory_space<vmem>>
          %dma_wait3A_220 = tpu.memref_squeeze %dma_wait3A_219 : memref<1x2x80xi32, #tpu.memory_space<vmem>> -> memref<2x80xi32, #tpu.memory_space<vmem>>
          %dma_wait3A_221 = arith.constant 0 : i32
          %dma_wait3A_222 = arith.constant 0 : i32
          %dma_wait3A_223 = tpu.memref_slice %arg3[%add3A, %add3A_205, %dma_wait3A_221, %dma_wait3A_222] : memref<32x125x2x80xi32, #tpu.memory_space<hbm>> -> memref<1x1x2x80xi32, #tpu.memory_space<hbm>>
          %dma_wait3A_224 = tpu.memref_squeeze %dma_wait3A_223 : memref<1x1x2x80xi32, #tpu.memory_space<hbm>> -> memref<2x80xi32, #tpu.memory_space<hbm>>
          %dma_wait3A_225 = tpu.memref_slice %arg13[%dma_wait3A_216] : memref<4x!tpu.dma_semaphore, #tpu.memory_space<semaphore_mem>> -> memref<1x!tpu.dma_semaphore, #tpu.memory_space<semaphore_mem>>
          %dma_wait3A_226 = tpu.memref_squeeze %dma_wait3A_225 : memref<1x!tpu.dma_semaphore, #tpu.memory_space<semaphore_mem>> -> memref<!tpu.dma_semaphore, #tpu.memory_space<semaphore_mem>>
          %dma_wait3A_227 = arith.constant 0 : i32
          %dma_wait3A_228 = arith.constant 0 : i32
          %dma_wait3A_229 = tpu.memref_slice %arg7[%dma_wait3A_215, %dma_wait3A_227, %dma_wait3A_228] : memref<4x2x80xi32, #tpu.memory_space<vmem>> -> memref<1x2x80xi32, #tpu.memory_space<vmem>>
          %dma_wait3A_230 = tpu.memref_squeeze %dma_wait3A_229 : memref<1x2x80xi32, #tpu.memory_space<vmem>> -> memref<2x80xi32, #tpu.memory_space<vmem>>
          %dma_wait3A_231 = arith.constant 0 : i32
          %dma_wait3A_232 = arith.constant 0 : i32
          %dma_wait3A_233 = tpu.memref_slice %arg3[%add3A, %add3A_205, %dma_wait3A_231, %dma_wait3A_232] : memref<32x125x2x80xi32, #tpu.memory_space<hbm>> -> memref<1x1x2x80xi32, #tpu.memory_space<hbm>>
          %dma_wait3A_234 = tpu.memref_squeeze %dma_wait3A_233 : memref<1x1x2x80xi32, #tpu.memory_space<hbm>> -> memref<2x80xi32, #tpu.memory_space<hbm>>
          tpu.wait_dma2 semaphore(%dma_wait3A_226 : memref<!tpu.dma_semaphore, #tpu.memory_space<semaphore_mem>>) src(%dma_wait3A_234 : memref<2x80xi32, #tpu.memory_space<hbm>>) dst(%dma_wait3A_230 : memref<2x80xi32, #tpu.memory_space<vmem>>)
          %dma_start3A_235 = arith.constant 2 : i32
          %dma_start3A_236 = arith.constant 0 : i32
          %dma_start3A_237 = arith.constant 0 : i32
          %dma_start3A_238 = arith.constant 0 : i32
          %dma_start3A_239 = arith.constant 0 : i32
          %dma_start3A_240 = arith.constant 0 : i32
          %dma_start3A_241 = tpu.memref_slice %arg8[%dma_start3A_237, %dma_start3A_239, %dma_start3A_240] : memref<2x80x128xf32, #tpu.memory_space<vmem>> -> memref<1x80x128xf32, #tpu.memory_space<vmem>>
          %dma_start3A_242 = tpu.memref_squeeze %dma_start3A_241 : memref<1x80x128xf32, #tpu.memory_space<vmem>> -> memref<80x128xf32, #tpu.memory_space<vmem>>
          %dma_start3A_243 = arith.constant 0 : i32
          %dma_start3A_244 = tpu.memref_slice %arg7[%dma_start3A_235, %dma_start3A_236, %dma_start3A_243] : memref<4x2x80xi32, #tpu.memory_space<vmem>> -> memref<1x1x80xi32, #tpu.memory_space<vmem>>
          %dma_start3A_245 = tpu.memref_squeeze %dma_start3A_244 : memref<1x1x80xi32, #tpu.memory_space<vmem>> -> memref<80xi32, #tpu.memory_space<vmem>>
          %dma_start3A_246 = arith.constant 0 : i32
          %dma_start3A_247 = arith.constant 0 : i32
          %dma_start3A_248 = tpu.memref_slice %arg2[%dma_start3A_246, %dma_start3A_247] : memref<10000x128xf32, #tpu.memory_space<hbm>> -> memref<10000x128xf32, #tpu.memory_space<hbm>>
          %dma_start3A_249 = tpu.memref_slice %arg11[%dma_start3A_238] : memref<2x!tpu.dma_semaphore, #tpu.memory_space<semaphore_mem>> -> memref<1x!tpu.dma_semaphore, #tpu.memory_space<semaphore_mem>>
          %dma_start3A_250 = tpu.memref_squeeze %dma_start3A_249 : memref<1x!tpu.dma_semaphore, #tpu.memory_space<semaphore_mem>> -> memref<!tpu.dma_semaphore, #tpu.memory_space<semaphore_mem>>
          tpu.enqueue_indirect_dma source(%dma_start3A_248 : memref<10000x128xf32, #tpu.memory_space<hbm>>) target(%dma_start3A_242 : memref<80x128xf32, #tpu.memory_space<vmem>>) offsets(%dma_start3A_245 : memref<80xi32, #tpu.memory_space<vmem>>) semaphore(%dma_start3A_250 : memref<!tpu.dma_semaphore, #tpu.memory_space<semaphore_mem>>)
        } else {
        }
      } else {
      }
      %mul3A_118 = arith.constant 4 : i32
      %mul3A_119 = arith.muli %mul3A_118, %scan3A_102 : i32
      %add3A_120 = arith.constant 2 : i32
      %add3A_121 = arith.addi %mul3A_119, %add3A_120 : i32
      %lt3A_122 = arith.constant 125 : i32
      %lt3A_123 = arith.cmpi slt, %add3A_121, %lt3A_122 : i32
      %convert_element_type3A_124 = arith.extui %lt3A_123 : i1 to i32
      %cond3A_125 = arith.constant 0 : i32
      %cond3A_126 = arith.cmpi ne, %convert_element_type3A_124, %cond3A_125 : i32
      scf.if %cond3A_126 {
        %get3A = arith.constant 2 : i32
        %get3A_136 = arith.constant 1 : i32
        %get3A_137 = arith.index_cast %get3A : i32 to index
        %get3A_138 = arith.index_cast %get3A_136 : i32 to index
        %get3A_139 = arith.constant 0 : index
        %get3A_140 = tpu.vector_load %arg7[%get3A_137, %get3A_138, %get3A_139] {strides = array<i32>} : memref<4x2x80xi32, #tpu.memory_space<vmem>>, vector<16xi32>,
        tpu.vector_store_idx %arg9[%get3A_140], %broadcast_in_dim3A_20 {add = true} : memref<10000xf32, #tpu.memory_space<vmem>>[vector<16xi32>], vector<16xf32>,
        %get3A_141 = arith.constant 2 : i32
        %get3A_142 = arith.constant 1 : i32
        %get3A_143 = arith.index_cast %get3A_141 : i32 to index
        %get3A_144 = arith.index_cast %get3A_142 : i32 to index
        %get3A_145 = arith.constant 16 : index
        %get3A_146 = tpu.vector_load %arg7[%get3A_143, %get3A_144, %get3A_145] {strides = array<i32>} : memref<4x2x80xi32, #tpu.memory_space<vmem>>, vector<16xi32>,
        tpu.vector_store_idx %arg9[%get3A_146], %broadcast_in_dim3A_20 {add = true} : memref<10000xf32, #tpu.memory_space<vmem>>[vector<16xi32>], vector<16xf32>,
        %get3A_147 = arith.constant 2 : i32
        %get3A_148 = arith.constant 1 : i32
        %get3A_149 = arith.index_cast %get3A_147 : i32 to index
        %get3A_150 = arith.index_cast %get3A_148 : i32 to index
        %get3A_151 = arith.constant 32 : index
        %get3A_152 = tpu.vector_load %arg7[%get3A_149, %get3A_150, %get3A_151] {strides = array<i32>} : memref<4x2x80xi32, #tpu.memory_space<vmem>>, vector<16xi32>,
        tpu.vector_store_idx %arg9[%get3A_152], %broadcast_in_dim3A_20 {add = true} : memref<10000xf32, #tpu.memory_space<vmem>>[vector<16xi32>], vector<16xf32>,
        %get3A_153 = arith.constant 2 : i32
        %get3A_154 = arith.constant 1 : i32
        %get3A_155 = arith.index_cast %get3A_153 : i32 to index
        %get3A_156 = arith.index_cast %get3A_154 : i32 to index
        %get3A_157 = arith.constant 48 : index
        %get3A_158 = tpu.vector_load %arg7[%get3A_155, %get3A_156, %get3A_157] {strides = array<i32>} : memref<4x2x80xi32, #tpu.memory_space<vmem>>, vector<16xi32>,
        tpu.vector_store_idx %arg9[%get3A_158], %broadcast_in_dim3A_20 {add = true} : memref<10000xf32, #tpu.memory_space<vmem>>[vector<16xi32>], vector<16xf32>,
        %get3A_159 = arith.constant 2 : i32
        %get3A_160 = arith.constant 1 : i32
        %get3A_161 = arith.index_cast %get3A_159 : i32 to index
        %get3A_162 = arith.index_cast %get3A_160 : i32 to index
        %get3A_163 = arith.constant 64 : index
        %get3A_164 = tpu.vector_load %arg7[%get3A_161, %get3A_162, %get3A_163] {strides = array<i32>} : memref<4x2x80xi32, #tpu.memory_space<vmem>>, vector<16xi32>,
        tpu.vector_store_idx %arg9[%get3A_164], %broadcast_in_dim3A_20 {add = true} : memref<10000xf32, #tpu.memory_space<vmem>>[vector<16xi32>], vector<16xf32>,
        %dma_wait3A_165 = arith.constant 2 : i32
        %dma_wait3A_166 = arith.constant 0 : i32
        %dma_wait3A_167 = arith.constant 0 : i32
        %dma_wait3A_168 = arith.constant 0 : i32
        %dma_wait3A_169 = arith.constant 0 : i32
        %dma_wait3A_170 = arith.constant 0 : i32
        %dma_wait3A_171 = tpu.memref_slice %arg8[%dma_wait3A_167, %dma_wait3A_169, %dma_wait3A_170] : memref<2x80x128xf32, #tpu.memory_space<vmem>> -> memref<1x80x128xf32, #tpu.memory_space<vmem>>
        %dma_wait3A_172 = tpu.memref_squeeze %dma_wait3A_171 : memref<1x80x128xf32, #tpu.memory_space<vmem>> -> memref<80x128xf32, #tpu.memory_space<vmem>>
        %dma_wait3A_173 = arith.constant 0 : i32
        %dma_wait3A_174 = tpu.memref_slice %arg7[%dma_wait3A_165, %dma_wait3A_166, %dma_wait3A_173] : memref<4x2x80xi32, #tpu.memory_space<vmem>> -> memref<1x1x80xi32, #tpu.memory_space<vmem>>
        %dma_wait3A_175 = tpu.memref_squeeze %dma_wait3A_174 : memref<1x1x80xi32, #tpu.memory_space<vmem>> -> memref<80xi32, #tpu.memory_space<vmem>>
        %dma_wait3A_176 = arith.constant 0 : i32
        %dma_wait3A_177 = arith.constant 0 : i32
        %dma_wait3A_178 = tpu.memref_slice %arg2[%dma_wait3A_176, %dma_wait3A_177] : memref<10000x128xf32, #tpu.memory_space<hbm>> -> memref<10000x128xf32, #tpu.memory_space<hbm>>
        %dma_wait3A_179 = tpu.memref_slice %arg11[%dma_wait3A_168] : memref<2x!tpu.dma_semaphore, #tpu.memory_space<semaphore_mem>> -> memref<1x!tpu.dma_semaphore, #tpu.memory_space<semaphore_mem>>
        %dma_wait3A_180 = tpu.memref_squeeze %dma_wait3A_179 : memref<1x!tpu.dma_semaphore, #tpu.memory_space<semaphore_mem>> -> memref<!tpu.dma_semaphore, #tpu.memory_space<semaphore_mem>>
        tpu.wait_indirect_dma semaphore(%dma_wait3A_180 : memref<!tpu.dma_semaphore, #tpu.memory_space<semaphore_mem>>) src(%dma_wait3A_178 : memref<10000x128xf32, #tpu.memory_space<hbm>>) dst(%dma_wait3A_172 : memref<80x128xf32, #tpu.memory_space<vmem>>)
        %dma_start3A_181 = arith.constant 0 : i32
        %dma_start3A_182 = arith.constant 2 : i32
        %dma_start3A_183 = arith.constant 1 : i32
        %dma_start3A_184 = arith.constant 0 : i32
        %dma_start3A_185 = arith.constant 0 : i32
        %dma_start3A_186 = arith.constant 0 : i32
        %dma_start3A_187 = tpu.memref_slice %arg8[%dma_start3A_181, %dma_start3A_185, %dma_start3A_186] : memref<2x80x128xf32, #tpu.memory_space<vmem>> -> memref<1x80x128xf32, #tpu.memory_space<vmem>>
        %dma_start3A_188 = tpu.memref_squeeze %dma_start3A_187 : memref<1x80x128xf32, #tpu.memory_space<vmem>> -> memref<80x128xf32, #tpu.memory_space<vmem>>
        %dma_start3A_189 = arith.constant 0 : i32
        %dma_start3A_190 = tpu.memref_slice %arg7[%dma_start3A_182, %dma_start3A_183, %dma_start3A_189] : memref<4x2x80xi32, #tpu.memory_space<vmem>> -> memref<1x1x80xi32, #tpu.memory_space<vmem>>
        %dma_start3A_191 = tpu.memref_squeeze %dma_start3A_190 : memref<1x1x80xi32, #tpu.memory_space<vmem>> -> memref<80xi32, #tpu.memory_space<vmem>>
        %dma_start3A_192 = arith.constant 0 : i32
        %dma_start3A_193 = arith.constant 0 : i32
        %dma_start3A_194 = tpu.memref_slice %arg6[%dma_start3A_192, %dma_start3A_193] : memref<10000x128xf32, #tpu.memory_space<vmem_shared>> -> memref<10000x128xf32, #tpu.memory_space<vmem_shared>>
        %dma_start3A_195 = tpu.memref_slice %arg12[%dma_start3A_184] : memref<2x!tpu.dma_semaphore, #tpu.memory_space<semaphore_mem>> -> memref<1x!tpu.dma_semaphore, #tpu.memory_space<semaphore_mem>>
        %dma_start3A_196 = tpu.memref_squeeze %dma_start3A_195 : memref<1x!tpu.dma_semaphore, #tpu.memory_space<semaphore_mem>> -> memref<!tpu.dma_semaphore, #tpu.memory_space<semaphore_mem>>
        tpu.enqueue_indirect_dma source(%dma_start3A_188 : memref<80x128xf32, #tpu.memory_space<vmem>>) target(%dma_start3A_194 : memref<10000x128xf32, #tpu.memory_space<vmem_shared>>) offsets(%dma_start3A_191 : memref<80xi32, #tpu.memory_space<vmem>>) semaphore(%dma_start3A_196 : memref<!tpu.dma_semaphore, #tpu.memory_space<semaphore_mem>>) {add = true}
        %add3A_197 = arith.constant 2 : i32
        %add3A_198 = arith.addi %add3A_121, %add3A_197 : i32
        %lt3A_199 = arith.constant 125 : i32
        %lt3A_200 = arith.cmpi slt, %add3A_198, %lt3A_199 : i32
        %convert_element_type3A_201 = arith.extui %lt3A_200 : i1 to i32
        %cond3A_202 = arith.constant 0 : i32
        %cond3A_203 = arith.cmpi ne, %convert_element_type3A_201, %cond3A_202 : i32
        scf.if %cond3A_203 {
          %add3A_211 = arith.constant 2 : i32
          %add3A_212 = arith.addi %add3A_121, %add3A_211 : i32
          %dma_start3A_213 = arith.constant 0 : i32
          %dma_start3A_214 = arith.constant 0 : i32
          %dma_start3A_215 = arith.constant 0 : i32
          %dma_start3A_216 = arith.constant 0 : i32
          %dma_start3A_217 = tpu.memref_slice %arg7[%dma_start3A_213, %dma_start3A_215, %dma_start3A_216] : memref<4x2x80xi32, #tpu.memory_space<vmem>> -> memref<1x2x80xi32, #tpu.memory_space<vmem>>
          %dma_start3A_218 = tpu.memref_squeeze %dma_start3A_217 : memref<1x2x80xi32, #tpu.memory_space<vmem>> -> memref<2x80xi32, #tpu.memory_space<vmem>>
          %dma_start3A_219 = arith.constant 0 : i32
          %dma_start3A_220 = arith.constant 0 : i32
          %dma_start3A_221 = tpu.memref_slice %arg3[%add3A, %add3A_212, %dma_start3A_219, %dma_start3A_220] : memref<32x125x2x80xi32, #tpu.memory_space<hbm>> -> memref<1x1x2x80xi32, #tpu.memory_space<hbm>>
          %dma_start3A_222 = tpu.memref_squeeze %dma_start3A_221 : memref<1x1x2x80xi32, #tpu.memory_space<hbm>> -> memref<2x80xi32, #tpu.memory_space<hbm>>
          %dma_start3A_223 = tpu.memref_slice %arg13[%dma_start3A_214] : memref<4x!tpu.dma_semaphore, #tpu.memory_space<semaphore_mem>> -> memref<1x!tpu.dma_semaphore, #tpu.memory_space<semaphore_mem>>
          %dma_start3A_224 = tpu.memref_squeeze %dma_start3A_223 : memref<1x!tpu.dma_semaphore, #tpu.memory_space<semaphore_mem>> -> memref<!tpu.dma_semaphore, #tpu.memory_space<semaphore_mem>>
          %dma_start3A_225 = arith.constant 0 : i32
          %dma_start3A_226 = arith.constant 0 : i32
          %dma_start3A_227 = tpu.memref_slice %arg7[%dma_start3A_213, %dma_start3A_225, %dma_start3A_226] : memref<4x2x80xi32, #tpu.memory_space<vmem>> -> memref<1x2x80xi32, #tpu.memory_space<vmem>>
          %dma_start3A_228 = tpu.memref_squeeze %dma_start3A_227 : memref<1x2x80xi32, #tpu.memory_space<vmem>> -> memref<2x80xi32, #tpu.memory_space<vmem>>
          %dma_start3A_229 = arith.constant 0 : i32
          %dma_start3A_230 = arith.constant 0 : i32
          %dma_start3A_231 = tpu.memref_slice %arg3[%add3A, %add3A_212, %dma_start3A_229, %dma_start3A_230] : memref<32x125x2x80xi32, #tpu.memory_space<hbm>> -> memref<1x1x2x80xi32, #tpu.memory_space<hbm>>
          %dma_start3A_232 = tpu.memref_squeeze %dma_start3A_231 : memref<1x1x2x80xi32, #tpu.memory_space<hbm>> -> memref<2x80xi32, #tpu.memory_space<hbm>>
          tpu.enqueue_dma source(%dma_start3A_232 : memref<2x80xi32, #tpu.memory_space<hbm>>) target(%dma_start3A_228 : memref<2x80xi32, #tpu.memory_space<vmem>>) target_semaphore(%dma_start3A_224 : memref<!tpu.dma_semaphore, #tpu.memory_space<semaphore_mem>>)
        } else {
        }
        %add3A_204 = arith.constant 1 : i32
        %add3A_205 = arith.addi %add3A_121, %add3A_204 : i32
        %lt3A_206 = arith.constant 125 : i32
        %lt3A_207 = arith.cmpi slt, %add3A_205, %lt3A_206 : i32
        %convert_element_type3A_208 = arith.extui %lt3A_207 : i1 to i32
        %cond3A_209 = arith.constant 0 : i32
        %cond3A_210 = arith.cmpi ne, %convert_element_type3A_208, %cond3A_209 : i32
        scf.if %cond3A_210 {
          %ge3A = arith.constant 2 : i32
          %ge3A_211 = arith.cmpi sge, %add3A_205, %ge3A : i32
          %convert_element_type3A_212 = arith.extui %ge3A_211 : i1 to i32
          %cond3A_213 = arith.constant 0 : i32
          %cond3A_214 = arith.cmpi ne, %convert_element_type3A_212, %cond3A_213 : i32
          scf.if %cond3A_214 {
            %dma_wait3A_251 = arith.constant 1 : i32
            %dma_wait3A_252 = arith.constant 1 : i32
            %dma_wait3A_253 = arith.constant 1 : i32
            %dma_wait3A_254 = arith.constant 1 : i32
            %dma_wait3A_255 = arith.constant 0 : i32
            %dma_wait3A_256 = arith.constant 0 : i32
            %dma_wait3A_257 = tpu.memref_slice %arg8[%dma_wait3A_251, %dma_wait3A_255, %dma_wait3A_256] : memref<2x80x128xf32, #tpu.memory_space<vmem>> -> memref<1x80x128xf32, #tpu.memory_space<vmem>>
            %dma_wait3A_258 = tpu.memref_squeeze %dma_wait3A_257 : memref<1x80x128xf32, #tpu.memory_space<vmem>> -> memref<80x128xf32, #tpu.memory_space<vmem>>
            %dma_wait3A_259 = arith.constant 0 : i32
            %dma_wait3A_260 = tpu.memref_slice %arg7[%dma_wait3A_252, %dma_wait3A_253, %dma_wait3A_259] : memref<4x2x80xi32, #tpu.memory_space<vmem>> -> memref<1x1x80xi32, #tpu.memory_space<vmem>>
            %dma_wait3A_261 = tpu.memref_squeeze %dma_wait3A_260 : memref<1x1x80xi32, #tpu.memory_space<vmem>> -> memref<80xi32, #tpu.memory_space<vmem>>
            %dma_wait3A_262 = arith.constant 0 : i32
            %dma_wait3A_263 = arith.constant 0 : i32
            %dma_wait3A_264 = tpu.memref_slice %arg6[%dma_wait3A_262, %dma_wait3A_263] : memref<10000x128xf32, #tpu.memory_space<vmem_shared>> -> memref<10000x128xf32, #tpu.memory_space<vmem_shared>>
            %dma_wait3A_265 = tpu.memref_slice %arg12[%dma_wait3A_254] : memref<2x!tpu.dma_semaphore, #tpu.memory_space<semaphore_mem>> -> memref<1x!tpu.dma_semaphore, #tpu.memory_space<semaphore_mem>>
            %dma_wait3A_266 = tpu.memref_squeeze %dma_wait3A_265 : memref<1x!tpu.dma_semaphore, #tpu.memory_space<semaphore_mem>> -> memref<!tpu.dma_semaphore, #tpu.memory_space<semaphore_mem>>
            tpu.wait_indirect_dma semaphore(%dma_wait3A_266 : memref<!tpu.dma_semaphore, #tpu.memory_space<semaphore_mem>>) src(%dma_wait3A_258 : memref<80x128xf32, #tpu.memory_space<vmem>>) dst(%dma_wait3A_264 : memref<10000x128xf32, #tpu.memory_space<vmem_shared>>)
          } else {
          }
          %dma_wait3A_215 = arith.constant 3 : i32
          %dma_wait3A_216 = arith.constant 3 : i32
          %dma_wait3A_217 = arith.constant 0 : i32
          %dma_wait3A_218 = arith.constant 0 : i32
          %dma_wait3A_219 = tpu.memref_slice %arg7[%dma_wait3A_215, %dma_wait3A_217, %dma_wait3A_218] : memref<4x2x80xi32, #tpu.memory_space<vmem>> -> memref<1x2x80xi32, #tpu.memory_space<vmem>>
          %dma_wait3A_220 = tpu.memref_squeeze %dma_wait3A_219 : memref<1x2x80xi32, #tpu.memory_space<vmem>> -> memref<2x80xi32, #tpu.memory_space<vmem>>
          %dma_wait3A_221 = arith.constant 0 : i32
          %dma_wait3A_222 = arith.constant 0 : i32
          %dma_wait3A_223 = tpu.memref_slice %arg3[%add3A, %add3A_205, %dma_wait3A_221, %dma_wait3A_222] : memref<32x125x2x80xi32, #tpu.memory_space<hbm>> -> memref<1x1x2x80xi32, #tpu.memory_space<hbm>>
          %dma_wait3A_224 = tpu.memref_squeeze %dma_wait3A_223 : memref<1x1x2x80xi32, #tpu.memory_space<hbm>> -> memref<2x80xi32, #tpu.memory_space<hbm>>
          %dma_wait3A_225 = tpu.memref_slice %arg13[%dma_wait3A_216] : memref<4x!tpu.dma_semaphore, #tpu.memory_space<semaphore_mem>> -> memref<1x!tpu.dma_semaphore, #tpu.memory_space<semaphore_mem>>
          %dma_wait3A_226 = tpu.memref_squeeze %dma_wait3A_225 : memref<1x!tpu.dma_semaphore, #tpu.memory_space<semaphore_mem>> -> memref<!tpu.dma_semaphore, #tpu.memory_space<semaphore_mem>>
          %dma_wait3A_227 = arith.constant 0 : i32
          %dma_wait3A_228 = arith.constant 0 : i32
          %dma_wait3A_229 = tpu.memref_slice %arg7[%dma_wait3A_215, %dma_wait3A_227, %dma_wait3A_228] : memref<4x2x80xi32, #tpu.memory_space<vmem>> -> memref<1x2x80xi32, #tpu.memory_space<vmem>>
          %dma_wait3A_230 = tpu.memref_squeeze %dma_wait3A_229 : memref<1x2x80xi32, #tpu.memory_space<vmem>> -> memref<2x80xi32, #tpu.memory_space<vmem>>
          %dma_wait3A_231 = arith.constant 0 : i32
          %dma_wait3A_232 = arith.constant 0 : i32
          %dma_wait3A_233 = tpu.memref_slice %arg3[%add3A, %add3A_205, %dma_wait3A_231, %dma_wait3A_232] : memref<32x125x2x80xi32, #tpu.memory_space<hbm>> -> memref<1x1x2x80xi32, #tpu.memory_space<hbm>>
          %dma_wait3A_234 = tpu.memref_squeeze %dma_wait3A_233 : memref<1x1x2x80xi32, #tpu.memory_space<hbm>> -> memref<2x80xi32, #tpu.memory_space<hbm>>
          tpu.wait_dma2 semaphore(%dma_wait3A_226 : memref<!tpu.dma_semaphore, #tpu.memory_space<semaphore_mem>>) src(%dma_wait3A_234 : memref<2x80xi32, #tpu.memory_space<hbm>>) dst(%dma_wait3A_230 : memref<2x80xi32, #tpu.memory_space<vmem>>)
          %dma_start3A_235 = arith.constant 3 : i32
          %dma_start3A_236 = arith.constant 0 : i32
          %dma_start3A_237 = arith.constant 1 : i32
          %dma_start3A_238 = arith.constant 1 : i32
          %dma_start3A_239 = arith.constant 0 : i32
          %dma_start3A_240 = arith.constant 0 : i32
          %dma_start3A_241 = tpu.memref_slice %arg8[%dma_start3A_237, %dma_start3A_239, %dma_start3A_240] : memref<2x80x128xf32, #tpu.memory_space<vmem>> -> memref<1x80x128xf32, #tpu.memory_space<vmem>>
          %dma_start3A_242 = tpu.memref_squeeze %dma_start3A_241 : memref<1x80x128xf32, #tpu.memory_space<vmem>> -> memref<80x128xf32, #tpu.memory_space<vmem>>
          %dma_start3A_243 = arith.constant 0 : i32
          %dma_start3A_244 = tpu.memref_slice %arg7[%dma_start3A_235, %dma_start3A_236, %dma_start3A_243] : memref<4x2x80xi32, #tpu.memory_space<vmem>> -> memref<1x1x80xi32, #tpu.memory_space<vmem>>
          %dma_start3A_245 = tpu.memref_squeeze %dma_start3A_244 : memref<1x1x80xi32, #tpu.memory_space<vmem>> -> memref<80xi32, #tpu.memory_space<vmem>>
          %dma_start3A_246 = arith.constant 0 : i32
          %dma_start3A_247 = arith.constant 0 : i32
          %dma_start3A_248 = tpu.memref_slice %arg2[%dma_start3A_246, %dma_start3A_247] : memref<10000x128xf32, #tpu.memory_space<hbm>> -> memref<10000x128xf32, #tpu.memory_space<hbm>>
          %dma_start3A_249 = tpu.memref_slice %arg11[%dma_start3A_238] : memref<2x!tpu.dma_semaphore, #tpu.memory_space<semaphore_mem>> -> memref<1x!tpu.dma_semaphore, #tpu.memory_space<semaphore_mem>>
          %dma_start3A_250 = tpu.memref_squeeze %dma_start3A_249 : memref<1x!tpu.dma_semaphore, #tpu.memory_space<semaphore_mem>> -> memref<!tpu.dma_semaphore, #tpu.memory_space<semaphore_mem>>
          tpu.enqueue_indirect_dma source(%dma_start3A_248 : memref<10000x128xf32, #tpu.memory_space<hbm>>) target(%dma_start3A_242 : memref<80x128xf32, #tpu.memory_space<vmem>>) offsets(%dma_start3A_245 : memref<80xi32, #tpu.memory_space<vmem>>) semaphore(%dma_start3A_250 : memref<!tpu.dma_semaphore, #tpu.memory_space<semaphore_mem>>)
        } else {
        }
      } else {
      }
      %mul3A_127 = arith.constant 4 : i32
      %mul3A_128 = arith.muli %mul3A_127, %scan3A_102 : i32
      %add3A_129 = arith.constant 3 : i32
      %add3A_130 = arith.addi %mul3A_128, %add3A_129 : i32
      %lt3A_131 = arith.constant 125 : i32
      %lt3A_132 = arith.cmpi slt, %add3A_130, %lt3A_131 : i32
      %convert_element_type3A_133 = arith.extui %lt3A_132 : i1 to i32
      %cond3A_134 = arith.constant 0 : i32
      %cond3A_135 = arith.cmpi ne, %convert_element_type3A_133, %cond3A_134 : i32
      scf.if %cond3A_135 {
        %get3A = arith.constant 3 : i32
        %get3A_136 = arith.constant 1 : i32
        %get3A_137 = arith.index_cast %get3A : i32 to index
        %get3A_138 = arith.index_cast %get3A_136 : i32 to index
        %get3A_139 = arith.constant 0 : index
        %get3A_140 = tpu.vector_load %arg7[%get3A_137, %get3A_138, %get3A_139] {strides = array<i32>} : memref<4x2x80xi32, #tpu.memory_space<vmem>>, vector<16xi32>,
        tpu.vector_store_idx %arg9[%get3A_140], %broadcast_in_dim3A_20 {add = true} : memref<10000xf32, #tpu.memory_space<vmem>>[vector<16xi32>], vector<16xf32>,
        %get3A_141 = arith.constant 3 : i32
        %get3A_142 = arith.constant 1 : i32
        %get3A_143 = arith.index_cast %get3A_141 : i32 to index
        %get3A_144 = arith.index_cast %get3A_142 : i32 to index
        %get3A_145 = arith.constant 16 : index
        %get3A_146 = tpu.vector_load %arg7[%get3A_143, %get3A_144, %get3A_145] {strides = array<i32>} : memref<4x2x80xi32, #tpu.memory_space<vmem>>, vector<16xi32>,
        tpu.vector_store_idx %arg9[%get3A_146], %broadcast_in_dim3A_20 {add = true} : memref<10000xf32, #tpu.memory_space<vmem>>[vector<16xi32>], vector<16xf32>,
        %get3A_147 = arith.constant 3 : i32
        %get3A_148 = arith.constant 1 : i32
        %get3A_149 = arith.index_cast %get3A_147 : i32 to index
        %get3A_150 = arith.index_cast %get3A_148 : i32 to index
        %get3A_151 = arith.constant 32 : index
        %get3A_152 = tpu.vector_load %arg7[%get3A_149, %get3A_150, %get3A_151] {strides = array<i32>} : memref<4x2x80xi32, #tpu.memory_space<vmem>>, vector<16xi32>,
        tpu.vector_store_idx %arg9[%get3A_152], %broadcast_in_dim3A_20 {add = true} : memref<10000xf32, #tpu.memory_space<vmem>>[vector<16xi32>], vector<16xf32>,
        %get3A_153 = arith.constant 3 : i32
        %get3A_154 = arith.constant 1 : i32
        %get3A_155 = arith.index_cast %get3A_153 : i32 to index
        %get3A_156 = arith.index_cast %get3A_154 : i32 to index
        %get3A_157 = arith.constant 48 : index
        %get3A_158 = tpu.vector_load %arg7[%get3A_155, %get3A_156, %get3A_157] {strides = array<i32>} : memref<4x2x80xi32, #tpu.memory_space<vmem>>, vector<16xi32>,
        tpu.vector_store_idx %arg9[%get3A_158], %broadcast_in_dim3A_20 {add = true} : memref<10000xf32, #tpu.memory_space<vmem>>[vector<16xi32>], vector<16xf32>,
        %get3A_159 = arith.constant 3 : i32
        %get3A_160 = arith.constant 1 : i32
        %get3A_161 = arith.index_cast %get3A_159 : i32 to index
        %get3A_162 = arith.index_cast %get3A_160 : i32 to index
        %get3A_163 = arith.constant 64 : index
        %get3A_164 = tpu.vector_load %arg7[%get3A_161, %get3A_162, %get3A_163] {strides = array<i32>} : memref<4x2x80xi32, #tpu.memory_space<vmem>>, vector<16xi32>,
        tpu.vector_store_idx %arg9[%get3A_164], %broadcast_in_dim3A_20 {add = true} : memref<10000xf32, #tpu.memory_space<vmem>>[vector<16xi32>], vector<16xf32>,
        %dma_wait3A_165 = arith.constant 3 : i32
        %dma_wait3A_166 = arith.constant 0 : i32
        %dma_wait3A_167 = arith.constant 1 : i32
        %dma_wait3A_168 = arith.constant 1 : i32
        %dma_wait3A_169 = arith.constant 0 : i32
        %dma_wait3A_170 = arith.constant 0 : i32
        %dma_wait3A_171 = tpu.memref_slice %arg8[%dma_wait3A_167, %dma_wait3A_169, %dma_wait3A_170] : memref<2x80x128xf32, #tpu.memory_space<vmem>> -> memref<1x80x128xf32, #tpu.memory_space<vmem>>
        %dma_wait3A_172 = tpu.memref_squeeze %dma_wait3A_171 : memref<1x80x128xf32, #tpu.memory_space<vmem>> -> memref<80x128xf32, #tpu.memory_space<vmem>>
        %dma_wait3A_173 = arith.constant 0 : i32
        %dma_wait3A_174 = tpu.memref_slice %arg7[%dma_wait3A_165, %dma_wait3A_166, %dma_wait3A_173] : memref<4x2x80xi32, #tpu.memory_space<vmem>> -> memref<1x1x80xi32, #tpu.memory_space<vmem>>
        %dma_wait3A_175 = tpu.memref_squeeze %dma_wait3A_174 : memref<1x1x80xi32, #tpu.memory_space<vmem>> -> memref<80xi32, #tpu.memory_space<vmem>>
        %dma_wait3A_176 = arith.constant 0 : i32
        %dma_wait3A_177 = arith.constant 0 : i32
        %dma_wait3A_178 = tpu.memref_slice %arg2[%dma_wait3A_176, %dma_wait3A_177] : memref<10000x128xf32, #tpu.memory_space<hbm>> -> memref<10000x128xf32, #tpu.memory_space<hbm>>
        %dma_wait3A_179 = tpu.memref_slice %arg11[%dma_wait3A_168] : memref<2x!tpu.dma_semaphore, #tpu.memory_space<semaphore_mem>> -> memref<1x!tpu.dma_semaphore, #tpu.memory_space<semaphore_mem>>
        %dma_wait3A_180 = tpu.memref_squeeze %dma_wait3A_179 : memref<1x!tpu.dma_semaphore, #tpu.memory_space<semaphore_mem>> -> memref<!tpu.dma_semaphore, #tpu.memory_space<semaphore_mem>>
        tpu.wait_indirect_dma semaphore(%dma_wait3A_180 : memref<!tpu.dma_semaphore, #tpu.memory_space<semaphore_mem>>) src(%dma_wait3A_178 : memref<10000x128xf32, #tpu.memory_space<hbm>>) dst(%dma_wait3A_172 : memref<80x128xf32, #tpu.memory_space<vmem>>)
        %dma_start3A_181 = arith.constant 1 : i32
        %dma_start3A_182 = arith.constant 3 : i32
        %dma_start3A_183 = arith.constant 1 : i32
        %dma_start3A_184 = arith.constant 1 : i32
        %dma_start3A_185 = arith.constant 0 : i32
        %dma_start3A_186 = arith.constant 0 : i32
        %dma_start3A_187 = tpu.memref_slice %arg8[%dma_start3A_181, %dma_start3A_185, %dma_start3A_186] : memref<2x80x128xf32, #tpu.memory_space<vmem>> -> memref<1x80x128xf32, #tpu.memory_space<vmem>>
        %dma_start3A_188 = tpu.memref_squeeze %dma_start3A_187 : memref<1x80x128xf32, #tpu.memory_space<vmem>> -> memref<80x128xf32, #tpu.memory_space<vmem>>
        %dma_start3A_189 = arith.constant 0 : i32
        %dma_start3A_190 = tpu.memref_slice %arg7[%dma_start3A_182, %dma_start3A_183, %dma_start3A_189] : memref<4x2x80xi32, #tpu.memory_space<vmem>> -> memref<1x1x80xi32, #tpu.memory_space<vmem>>
        %dma_start3A_191 = tpu.memref_squeeze %dma_start3A_190 : memref<1x1x80xi32, #tpu.memory_space<vmem>> -> memref<80xi32, #tpu.memory_space<vmem>>
        %dma_start3A_192 = arith.constant 0 : i32
        %dma_start3A_193 = arith.constant 0 : i32
        %dma_start3A_194 = tpu.memref_slice %arg6[%dma_start3A_192, %dma_start3A_193] : memref<10000x128xf32, #tpu.memory_space<vmem_shared>> -> memref<10000x128xf32, #tpu.memory_space<vmem_shared>>
        %dma_start3A_195 = tpu.memref_slice %arg12[%dma_start3A_184] : memref<2x!tpu.dma_semaphore, #tpu.memory_space<semaphore_mem>> -> memref<1x!tpu.dma_semaphore, #tpu.memory_space<semaphore_mem>>
        %dma_start3A_196 = tpu.memref_squeeze %dma_start3A_195 : memref<1x!tpu.dma_semaphore, #tpu.memory_space<semaphore_mem>> -> memref<!tpu.dma_semaphore, #tpu.memory_space<semaphore_mem>>
        tpu.enqueue_indirect_dma source(%dma_start3A_188 : memref<80x128xf32, #tpu.memory_space<vmem>>) target(%dma_start3A_194 : memref<10000x128xf32, #tpu.memory_space<vmem_shared>>) offsets(%dma_start3A_191 : memref<80xi32, #tpu.memory_space<vmem>>) semaphore(%dma_start3A_196 : memref<!tpu.dma_semaphore, #tpu.memory_space<semaphore_mem>>) {add = true}
        %add3A_197 = arith.constant 2 : i32
        %add3A_198 = arith.addi %add3A_130, %add3A_197 : i32
        %lt3A_199 = arith.constant 125 : i32
        %lt3A_200 = arith.cmpi slt, %add3A_198, %lt3A_199 : i32
        %convert_element_type3A_201 = arith.extui %lt3A_200 : i1 to i32
        %cond3A_202 = arith.constant 0 : i32
        %cond3A_203 = arith.cmpi ne, %convert_element_type3A_201, %cond3A_202 : i32
        scf.if %cond3A_203 {
          %add3A_211 = arith.constant 2 : i32
          %add3A_212 = arith.addi %add3A_130, %add3A_211 : i32
          %dma_start3A_213 = arith.constant 1 : i32
          %dma_start3A_214 = arith.constant 1 : i32
          %dma_start3A_215 = arith.constant 0 : i32
          %dma_start3A_216 = arith.constant 0 : i32
          %dma_start3A_217 = tpu.memref_slice %arg7[%dma_start3A_213, %dma_start3A_215, %dma_start3A_216] : memref<4x2x80xi32, #tpu.memory_space<vmem>> -> memref<1x2x80xi32, #tpu.memory_space<vmem>>
          %dma_start3A_218 = tpu.memref_squeeze %dma_start3A_217 : memref<1x2x80xi32, #tpu.memory_space<vmem>> -> memref<2x80xi32, #tpu.memory_space<vmem>>
          %dma_start3A_219 = arith.constant 0 : i32
          %dma_start3A_220 = arith.constant 0 : i32
          %dma_start3A_221 = tpu.memref_slice %arg3[%add3A, %add3A_212, %dma_start3A_219, %dma_start3A_220] : memref<32x125x2x80xi32, #tpu.memory_space<hbm>> -> memref<1x1x2x80xi32, #tpu.memory_space<hbm>>
          %dma_start3A_222 = tpu.memref_squeeze %dma_start3A_221 : memref<1x1x2x80xi32, #tpu.memory_space<hbm>> -> memref<2x80xi32, #tpu.memory_space<hbm>>
          %dma_start3A_223 = tpu.memref_slice %arg13[%dma_start3A_214] : memref<4x!tpu.dma_semaphore, #tpu.memory_space<semaphore_mem>> -> memref<1x!tpu.dma_semaphore, #tpu.memory_space<semaphore_mem>>
          %dma_start3A_224 = tpu.memref_squeeze %dma_start3A_223 : memref<1x!tpu.dma_semaphore, #tpu.memory_space<semaphore_mem>> -> memref<!tpu.dma_semaphore, #tpu.memory_space<semaphore_mem>>
          %dma_start3A_225 = arith.constant 0 : i32
          %dma_start3A_226 = arith.constant 0 : i32
          %dma_start3A_227 = tpu.memref_slice %arg7[%dma_start3A_213, %dma_start3A_225, %dma_start3A_226] : memref<4x2x80xi32, #tpu.memory_space<vmem>> -> memref<1x2x80xi32, #tpu.memory_space<vmem>>
          %dma_start3A_228 = tpu.memref_squeeze %dma_start3A_227 : memref<1x2x80xi32, #tpu.memory_space<vmem>> -> memref<2x80xi32, #tpu.memory_space<vmem>>
          %dma_start3A_229 = arith.constant 0 : i32
          %dma_start3A_230 = arith.constant 0 : i32
          %dma_start3A_231 = tpu.memref_slice %arg3[%add3A, %add3A_212, %dma_start3A_229, %dma_start3A_230] : memref<32x125x2x80xi32, #tpu.memory_space<hbm>> -> memref<1x1x2x80xi32, #tpu.memory_space<hbm>>
          %dma_start3A_232 = tpu.memref_squeeze %dma_start3A_231 : memref<1x1x2x80xi32, #tpu.memory_space<hbm>> -> memref<2x80xi32, #tpu.memory_space<hbm>>
          tpu.enqueue_dma source(%dma_start3A_232 : memref<2x80xi32, #tpu.memory_space<hbm>>) target(%dma_start3A_228 : memref<2x80xi32, #tpu.memory_space<vmem>>) target_semaphore(%dma_start3A_224 : memref<!tpu.dma_semaphore, #tpu.memory_space<semaphore_mem>>)
        } else {
        }
        %add3A_204 = arith.constant 1 : i32
        %add3A_205 = arith.addi %add3A_130, %add3A_204 : i32
        %lt3A_206 = arith.constant 125 : i32
        %lt3A_207 = arith.cmpi slt, %add3A_205, %lt3A_206 : i32
        %convert_element_type3A_208 = arith.extui %lt3A_207 : i1 to i32
        %cond3A_209 = arith.constant 0 : i32
        %cond3A_210 = arith.cmpi ne, %convert_element_type3A_208, %cond3A_209 : i32
        scf.if %cond3A_210 {
          %ge3A = arith.constant 2 : i32
          %ge3A_211 = arith.cmpi sge, %add3A_205, %ge3A : i32
          %convert_element_type3A_212 = arith.extui %ge3A_211 : i1 to i32
          %cond3A_213 = arith.constant 0 : i32
          %cond3A_214 = arith.cmpi ne, %convert_element_type3A_212, %cond3A_213 : i32
          scf.if %cond3A_214 {
            %dma_wait3A_251 = arith.constant 0 : i32
            %dma_wait3A_252 = arith.constant 2 : i32
            %dma_wait3A_253 = arith.constant 1 : i32
            %dma_wait3A_254 = arith.constant 0 : i32
            %dma_wait3A_255 = arith.constant 0 : i32
            %dma_wait3A_256 = arith.constant 0 : i32
            %dma_wait3A_257 = tpu.memref_slice %arg8[%dma_wait3A_251, %dma_wait3A_255, %dma_wait3A_256] : memref<2x80x128xf32, #tpu.memory_space<vmem>> -> memref<1x80x128xf32, #tpu.memory_space<vmem>>
            %dma_wait3A_258 = tpu.memref_squeeze %dma_wait3A_257 : memref<1x80x128xf32, #tpu.memory_space<vmem>> -> memref<80x128xf32, #tpu.memory_space<vmem>>
            %dma_wait3A_259 = arith.constant 0 : i32
            %dma_wait3A_260 = tpu.memref_slice %arg7[%dma_wait3A_252, %dma_wait3A_253, %dma_wait3A_259] : memref<4x2x80xi32, #tpu.memory_space<vmem>> -> memref<1x1x80xi32, #tpu.memory_space<vmem>>
            %dma_wait3A_261 = tpu.memref_squeeze %dma_wait3A_260 : memref<1x1x80xi32, #tpu.memory_space<vmem>> -> memref<80xi32, #tpu.memory_space<vmem>>
            %dma_wait3A_262 = arith.constant 0 : i32
            %dma_wait3A_263 = arith.constant 0 : i32
            %dma_wait3A_264 = tpu.memref_slice %arg6[%dma_wait3A_262, %dma_wait3A_263] : memref<10000x128xf32, #tpu.memory_space<vmem_shared>> -> memref<10000x128xf32, #tpu.memory_space<vmem_shared>>
            %dma_wait3A_265 = tpu.memref_slice %arg12[%dma_wait3A_254] : memref<2x!tpu.dma_semaphore, #tpu.memory_space<semaphore_mem>> -> memref<1x!tpu.dma_semaphore, #tpu.memory_space<semaphore_mem>>
            %dma_wait3A_266 = tpu.memref_squeeze %dma_wait3A_265 : memref<1x!tpu.dma_semaphore, #tpu.memory_space<semaphore_mem>> -> memref<!tpu.dma_semaphore, #tpu.memory_space<semaphore_mem>>
            tpu.wait_indirect_dma semaphore(%dma_wait3A_266 : memref<!tpu.dma_semaphore, #tpu.memory_space<semaphore_mem>>) src(%dma_wait3A_258 : memref<80x128xf32, #tpu.memory_space<vmem>>) dst(%dma_wait3A_264 : memref<10000x128xf32, #tpu.memory_space<vmem_shared>>)
          } else {
          }
          %dma_wait3A_215 = arith.constant 0 : i32
          %dma_wait3A_216 = arith.constant 0 : i32
          %dma_wait3A_217 = arith.constant 0 : i32
          %dma_wait3A_218 = arith.constant 0 : i32
          %dma_wait3A_219 = tpu.memref_slice %arg7[%dma_wait3A_215, %dma_wait3A_217, %dma_wait3A_218] : memref<4x2x80xi32, #tpu.memory_space<vmem>> -> memref<1x2x80xi32, #tpu.memory_space<vmem>>
          %dma_wait3A_220 = tpu.memref_squeeze %dma_wait3A_219 : memref<1x2x80xi32, #tpu.memory_space<vmem>> -> memref<2x80xi32, #tpu.memory_space<vmem>>
          %dma_wait3A_221 = arith.constant 0 : i32
          %dma_wait3A_222 = arith.constant 0 : i32
          %dma_wait3A_223 = tpu.memref_slice %arg3[%add3A, %add3A_205, %dma_wait3A_221, %dma_wait3A_222] : memref<32x125x2x80xi32, #tpu.memory_space<hbm>> -> memref<1x1x2x80xi32, #tpu.memory_space<hbm>>
          %dma_wait3A_224 = tpu.memref_squeeze %dma_wait3A_223 : memref<1x1x2x80xi32, #tpu.memory_space<hbm>> -> memref<2x80xi32, #tpu.memory_space<hbm>>
          %dma_wait3A_225 = tpu.memref_slice %arg13[%dma_wait3A_216] : memref<4x!tpu.dma_semaphore, #tpu.memory_space<semaphore_mem>> -> memref<1x!tpu.dma_semaphore, #tpu.memory_space<semaphore_mem>>
          %dma_wait3A_226 = tpu.memref_squeeze %dma_wait3A_225 : memref<1x!tpu.dma_semaphore, #tpu.memory_space<semaphore_mem>> -> memref<!tpu.dma_semaphore, #tpu.memory_space<semaphore_mem>>
          %dma_wait3A_227 = arith.constant 0 : i32
          %dma_wait3A_228 = arith.constant 0 : i32
          %dma_wait3A_229 = tpu.memref_slice %arg7[%dma_wait3A_215, %dma_wait3A_227, %dma_wait3A_228] : memref<4x2x80xi32, #tpu.memory_space<vmem>> -> memref<1x2x80xi32, #tpu.memory_space<vmem>>
          %dma_wait3A_230 = tpu.memref_squeeze %dma_wait3A_229 : memref<1x2x80xi32, #tpu.memory_space<vmem>> -> memref<2x80xi32, #tpu.memory_space<vmem>>
          %dma_wait3A_231 = arith.constant 0 : i32
          %dma_wait3A_232 = arith.constant 0 : i32
          %dma_wait3A_233 = tpu.memref_slice %arg3[%add3A, %add3A_205, %dma_wait3A_231, %dma_wait3A_232] : memref<32x125x2x80xi32, #tpu.memory_space<hbm>> -> memref<1x1x2x80xi32, #tpu.memory_space<hbm>>
          %dma_wait3A_234 = tpu.memref_squeeze %dma_wait3A_233 : memref<1x1x2x80xi32, #tpu.memory_space<hbm>> -> memref<2x80xi32, #tpu.memory_space<hbm>>
          tpu.wait_dma2 semaphore(%dma_wait3A_226 : memref<!tpu.dma_semaphore, #tpu.memory_space<semaphore_mem>>) src(%dma_wait3A_234 : memref<2x80xi32, #tpu.memory_space<hbm>>) dst(%dma_wait3A_230 : memref<2x80xi32, #tpu.memory_space<vmem>>)
          %dma_start3A_235 = arith.constant 0 : i32
          %dma_start3A_236 = arith.constant 0 : i32
          %dma_start3A_237 = arith.constant 0 : i32
          %dma_start3A_238 = arith.constant 0 : i32
          %dma_start3A_239 = arith.constant 0 : i32
          %dma_start3A_240 = arith.constant 0 : i32
          %dma_start3A_241 = tpu.memref_slice %arg8[%dma_start3A_237, %dma_start3A_239, %dma_start3A_240] : memref<2x80x128xf32, #tpu.memory_space<vmem>> -> memref<1x80x128xf32, #tpu.memory_space<vmem>>
          %dma_start3A_242 = tpu.memref_squeeze %dma_start3A_241 : memref<1x80x128xf32, #tpu.memory_space<vmem>> -> memref<80x128xf32, #tpu.memory_space<vmem>>
          %dma_start3A_243 = arith.constant 0 : i32
          %dma_start3A_244 = tpu.memref_slice %arg7[%dma_start3A_235, %dma_start3A_236, %dma_start3A_243] : memref<4x2x80xi32, #tpu.memory_space<vmem>> -> memref<1x1x80xi32, #tpu.memory_space<vmem>>
          %dma_start3A_245 = tpu.memref_squeeze %dma_start3A_244 : memref<1x1x80xi32, #tpu.memory_space<vmem>> -> memref<80xi32, #tpu.memory_space<vmem>>
          %dma_start3A_246 = arith.constant 0 : i32
          %dma_start3A_247 = arith.constant 0 : i32
          %dma_start3A_248 = tpu.memref_slice %arg2[%dma_start3A_246, %dma_start3A_247] : memref<10000x128xf32, #tpu.memory_space<hbm>> -> memref<10000x128xf32, #tpu.memory_space<hbm>>
          %dma_start3A_249 = tpu.memref_slice %arg11[%dma_start3A_238] : memref<2x!tpu.dma_semaphore, #tpu.memory_space<semaphore_mem>> -> memref<1x!tpu.dma_semaphore, #tpu.memory_space<semaphore_mem>>
          %dma_start3A_250 = tpu.memref_squeeze %dma_start3A_249 : memref<1x!tpu.dma_semaphore, #tpu.memory_space<semaphore_mem>> -> memref<!tpu.dma_semaphore, #tpu.memory_space<semaphore_mem>>
          tpu.enqueue_indirect_dma source(%dma_start3A_248 : memref<10000x128xf32, #tpu.memory_space<hbm>>) target(%dma_start3A_242 : memref<80x128xf32, #tpu.memory_space<vmem>>) offsets(%dma_start3A_245 : memref<80xi32, #tpu.memory_space<vmem>>) semaphore(%dma_start3A_250 : memref<!tpu.dma_semaphore, #tpu.memory_space<semaphore_mem>>)
        } else {
        }
      } else {
      }
    }
    %scan3A_63 = arith.constant 32 : i32
    %dma_wait3A = arith.constant 0 : i32
    %dma_wait3A_64 = arith.constant 0 : i32
    %dma_wait3A_65 = arith.constant 1 : i32
    %dma_wait3A_66 = arith.constant 0 : i32
    %dma_wait3A_67 = arith.constant 0 : i32
    %dma_wait3A_68 = arith.constant 0 : i32
    %dma_wait3A_69 = tpu.memref_slice %arg8[%dma_wait3A, %dma_wait3A_67, %dma_wait3A_68] : memref<2x80x128xf32, #tpu.memory_space<vmem>> -> memref<1x80x128xf32, #tpu.memory_space<vmem>>
    %dma_wait3A_70 = tpu.memref_squeeze %dma_wait3A_69 : memref<1x80x128xf32, #tpu.memory_space<vmem>> -> memref<80x128xf32, #tpu.memory_space<vmem>>
    %dma_wait3A_71 = arith.constant 0 : i32
    %dma_wait3A_72 = tpu.memref_slice %arg7[%dma_wait3A_64, %dma_wait3A_65, %dma_wait3A_71] : memref<4x2x80xi32, #tpu.memory_space<vmem>> -> memref<1x1x80xi32, #tpu.memory_space<vmem>>
    %dma_wait3A_73 = tpu.memref_squeeze %dma_wait3A_72 : memref<1x1x80xi32, #tpu.memory_space<vmem>> -> memref<80xi32, #tpu.memory_space<vmem>>
    %dma_wait3A_74 = arith.constant 0 : i32
    %dma_wait3A_75 = arith.constant 0 : i32
    %dma_wait3A_76 = tpu.memref_slice %arg6[%dma_wait3A_74, %dma_wait3A_75] : memref<10000x128xf32, #tpu.memory_space<vmem_shared>> -> memref<10000x128xf32, #tpu.memory_space<vmem_shared>>
    %dma_wait3A_77 = tpu.memref_slice %arg12[%dma_wait3A_66] : memref<2x!tpu.dma_semaphore, #tpu.memory_space<semaphore_mem>> -> memref<1x!tpu.dma_semaphore, #tpu.memory_space<semaphore_mem>>
    %dma_wait3A_78 = tpu.memref_squeeze %dma_wait3A_77 : memref<1x!tpu.dma_semaphore, #tpu.memory_space<semaphore_mem>> -> memref<!tpu.dma_semaphore, #tpu.memory_space<semaphore_mem>>
    tpu.wait_indirect_dma semaphore(%dma_wait3A_78 : memref<!tpu.dma_semaphore, #tpu.memory_space<semaphore_mem>>) src(%dma_wait3A_70 : memref<80x128xf32, #tpu.memory_space<vmem>>) dst(%dma_wait3A_76 : memref<10000x128xf32, #tpu.memory_space<vmem_shared>>)
    %dma_wait3A_79 = arith.constant 1 : i32
    %dma_wait3A_80 = arith.constant 3 : i32
    %dma_wait3A_81 = arith.constant 1 : i32
    %dma_wait3A_82 = arith.constant 1 : i32
    %dma_wait3A_83 = arith.constant 0 : i32
    %dma_wait3A_84 = arith.constant 0 : i32
    %dma_wait3A_85 = tpu.memref_slice %arg8[%dma_wait3A_79, %dma_wait3A_83, %dma_wait3A_84] : memref<2x80x128xf32, #tpu.memory_space<vmem>> -> memref<1x80x128xf32, #tpu.memory_space<vmem>>
    %dma_wait3A_86 = tpu.memref_squeeze %dma_wait3A_85 : memref<1x80x128xf32, #tpu.memory_space<vmem>> -> memref<80x128xf32, #tpu.memory_space<vmem>>
    %dma_wait3A_87 = arith.constant 0 : i32
    %dma_wait3A_88 = tpu.memref_slice %arg7[%dma_wait3A_80, %dma_wait3A_81, %dma_wait3A_87] : memref<4x2x80xi32, #tpu.memory_space<vmem>> -> memref<1x1x80xi32, #tpu.memory_space<vmem>>
    %dma_wait3A_89 = tpu.memref_squeeze %dma_wait3A_88 : memref<1x1x80xi32, #tpu.memory_space<vmem>> -> memref<80xi32, #tpu.memory_space<vmem>>
    %dma_wait3A_90 = arith.constant 0 : i32
    %dma_wait3A_91 = arith.constant 0 : i32
    %dma_wait3A_92 = tpu.memref_slice %arg6[%dma_wait3A_90, %dma_wait3A_91] : memref<10000x128xf32, #tpu.memory_space<vmem_shared>> -> memref<10000x128xf32, #tpu.memory_space<vmem_shared>>
    %dma_wait3A_93 = tpu.memref_slice %arg12[%dma_wait3A_82] : memref<2x!tpu.dma_semaphore, #tpu.memory_space<semaphore_mem>> -> memref<1x!tpu.dma_semaphore, #tpu.memory_space<semaphore_mem>>
    %dma_wait3A_94 = tpu.memref_squeeze %dma_wait3A_93 : memref<1x!tpu.dma_semaphore, #tpu.memory_space<semaphore_mem>> -> memref<!tpu.dma_semaphore, #tpu.memory_space<semaphore_mem>>
    tpu.wait_indirect_dma semaphore(%dma_wait3A_94 : memref<!tpu.dma_semaphore, #tpu.memory_space<semaphore_mem>>) src(%dma_wait3A_86 : memref<80x128xf32, #tpu.memory_space<vmem>>) dst(%dma_wait3A_92 : memref<10000x128xf32, #tpu.memory_space<vmem_shared>>)
    %barrier3A_95 = arith.constant 0 : index
    tpu.barrier barrier_id(%barrier3A_95)
    "tpu.region"() ({
      %run_scoped3A_102 = tpu.sem_alloc : memref<!tpu.dma_semaphore, #tpu.memory_space<semaphore_mem>>
      %dma_start3A_103 = arith.constant 0 : i32
      %dma_start3A_104 = tpu.memref_slice %arg5[%add3A, %dma_start3A_103] : memref<32x10000xf32, #tpu.memory_space<hbm>> -> memref<1x10000xf32, #tpu.memory_space<hbm>>
      %dma_start3A_105 = tpu.memref_squeeze %dma_start3A_104 : memref<1x10000xf32, #tpu.memory_space<hbm>> -> memref<10000xf32, #tpu.memory_space<hbm>>
      %dma_start3A_106 = arith.constant 0 : i32
      %dma_start3A_107 = tpu.memref_slice %arg5[%add3A, %dma_start3A_106] : memref<32x10000xf32, #tpu.memory_space<hbm>> -> memref<1x10000xf32, #tpu.memory_space<hbm>>
      %dma_start3A_108 = tpu.memref_squeeze %dma_start3A_107 : memref<1x10000xf32, #tpu.memory_space<hbm>> -> memref<10000xf32, #tpu.memory_space<hbm>>
      tpu.enqueue_dma source(%arg9 : memref<10000xf32, #tpu.memory_space<vmem>>) target(%dma_start3A_108 : memref<10000xf32, #tpu.memory_space<hbm>>) target_semaphore(%run_scoped3A_102 : memref<!tpu.dma_semaphore, #tpu.memory_space<semaphore_mem>>)
      %dma_wait3A_109 = arith.constant 0 : i32
      %dma_wait3A_110 = tpu.memref_slice %arg5[%add3A, %dma_wait3A_109] : memref<32x10000xf32, #tpu.memory_space<hbm>> -> memref<1x10000xf32, #tpu.memory_space<hbm>>
      %dma_wait3A_111 = tpu.memref_squeeze %dma_wait3A_110 : memref<1x10000xf32, #tpu.memory_space<hbm>> -> memref<10000xf32, #tpu.memory_space<hbm>>
      %dma_wait3A_112 = arith.constant 0 : i32
      %dma_wait3A_113 = tpu.memref_slice %arg5[%add3A, %dma_wait3A_112] : memref<32x10000xf32, #tpu.memory_space<hbm>> -> memref<1x10000xf32, #tpu.memory_space<hbm>>
      %dma_wait3A_114 = tpu.memref_squeeze %dma_wait3A_113 : memref<1x10000xf32, #tpu.memory_space<hbm>> -> memref<10000xf32, #tpu.memory_space<hbm>>
      tpu.wait_dma2 semaphore(%run_scoped3A_102 : memref<!tpu.dma_semaphore, #tpu.memory_space<semaphore_mem>>) src(%arg9 : memref<10000xf32, #tpu.memory_space<vmem>>) dst(%dma_wait3A_114 : memref<10000xf32, #tpu.memory_space<hbm>>)
      tpu.yield
    }) : () -> ()
    %scan3A_96 = arith.constant 0 : i32
    %scan3A_97 = arith.constant 0 : i32
    %scan3A_98 = arith.constant 16 : i32
    %scan3A_99 = arith.addi %scan3A_97, %scan3A_98 : i32
    %scan3A_100 = arith.constant 1 : i32
    scf.for %scan3A_102 = %scan3A_97 to %scan3A_99 step %scan3A_100  : i32 {
      %mul3A_103 = arith.constant 16 : i32
      %mul3A_104 = arith.muli %scan3A_102, %mul3A_103 : i32
      %add3A_105 = arith.addi %arg1, %mul3A_104 : i32
      %lt3A = arith.constant 250 : i32
      %lt3A_106 = arith.cmpi slt, %add3A_105, %lt3A : i32
      %convert_element_type3A = arith.extui %lt3A_106 : i1 to i32
      %cond3A = arith.constant 0 : i32
      %cond3A_107 = arith.cmpi ne, %convert_element_type3A, %cond3A : i32
      scf.if %cond3A_107 {
        %mul3A_108 = arith.constant 40 : i32
        %mul3A_109 = arith.muli %add3A_105, %mul3A_108 : i32
        "tpu.region"() ({
          %run_scoped3A_110 = tpu.sem_alloc : memref<!tpu.dma_semaphore, #tpu.memory_space<semaphore_mem>>
          %dma_start3A_111 = arith.constant 0 : i32
          %dma_start3A_112 = tpu.memref_slice %arg6[%mul3A_109, %dma_start3A_111] : memref<10000x128xf32, #tpu.memory_space<vmem_shared>> -> memref<40x128xf32, #tpu.memory_space<vmem_shared>>
          %dma_start3A_113 = arith.constant 0 : i32
          %dma_start3A_114 = tpu.memref_slice %arg6[%mul3A_109, %dma_start3A_113] : memref<10000x128xf32, #tpu.memory_space<vmem_shared>> -> memref<40x128xf32, #tpu.memory_space<vmem_shared>>
          tpu.enqueue_dma source(%dma_start3A_114 : memref<40x128xf32, #tpu.memory_space<vmem_shared>>) target(%arg10 : memref<40x128xf32, #tpu.memory_space<vmem>>) target_semaphore(%run_scoped3A_110 : memref<!tpu.dma_semaphore, #tpu.memory_space<semaphore_mem>>)
          %dma_wait3A_115 = arith.constant 0 : i32
          %dma_wait3A_116 = tpu.memref_slice %arg6[%mul3A_109, %dma_wait3A_115] : memref<10000x128xf32, #tpu.memory_space<vmem_shared>> -> memref<40x128xf32, #tpu.memory_space<vmem_shared>>
          %dma_wait3A_117 = arith.constant 0 : i32
          %dma_wait3A_118 = tpu.memref_slice %arg6[%mul3A_109, %dma_wait3A_117] : memref<10000x128xf32, #tpu.memory_space<vmem_shared>> -> memref<40x128xf32, #tpu.memory_space<vmem_shared>>
          tpu.wait_dma2 semaphore(%run_scoped3A_110 : memref<!tpu.dma_semaphore, #tpu.memory_space<semaphore_mem>>) src(%dma_wait3A_118 : memref<40x128xf32, #tpu.memory_space<vmem_shared>>) dst(%arg10 : memref<40x128xf32, #tpu.memory_space<vmem>>)
          tpu.yield
        }) : () -> ()
        "tpu.region"() ({
          %run_scoped3A_110 = tpu.sem_alloc : memref<!tpu.dma_semaphore, #tpu.memory_space<semaphore_mem>>
          %dma_start3A_111 = arith.constant 0 : i32
          %dma_start3A_112 = tpu.memref_slice %arg4[%arg0, %mul3A_109, %dma_start3A_111] : memref<2x10000x128xf32, #tpu.memory_space<hbm>> -> memref<1x40x128xf32, #tpu.memory_space<hbm>>
          %dma_start3A_113 = tpu.memref_squeeze %dma_start3A_112 : memref<1x40x128xf32, #tpu.memory_space<hbm>> -> memref<40x128xf32, #tpu.memory_space<hbm>>
          %dma_start3A_114 = arith.constant 0 : i32
          %dma_start3A_115 = tpu.memref_slice %arg4[%arg0, %mul3A_109, %dma_start3A_114] : memref<2x10000x128xf32, #tpu.memory_space<hbm>> -> memref<1x40x128xf32, #tpu.memory_space<hbm>>
          %dma_start3A_116 = tpu.memref_squeeze %dma_start3A_115 : memref<1x40x128xf32, #tpu.memory_space<hbm>> -> memref<40x128xf32, #tpu.memory_space<hbm>>
          tpu.enqueue_dma source(%arg10 : memref<40x128xf32, #tpu.memory_space<vmem>>) target(%dma_start3A_116 : memref<40x128xf32, #tpu.memory_space<hbm>>) target_semaphore(%run_scoped3A_110 : memref<!tpu.dma_semaphore, #tpu.memory_space<semaphore_mem>>)
          %dma_wait3A_117 = arith.constant 0 : i32
          %dma_wait3A_118 = tpu.memref_slice %arg4[%arg0, %mul3A_109, %dma_wait3A_117] : memref<2x10000x128xf32, #tpu.memory_space<hbm>> -> memref<1x40x128xf32, #tpu.memory_space<hbm>>
          %dma_wait3A_119 = tpu.memref_squeeze %dma_wait3A_118 : memref<1x40x128xf32, #tpu.memory_space<hbm>> -> memref<40x128xf32, #tpu.memory_space<hbm>>
          %dma_wait3A_120 = arith.constant 0 : i32
          %dma_wait3A_121 = tpu.memref_slice %arg4[%arg0, %mul3A_109, %dma_wait3A_120] : memref<2x10000x128xf32, #tpu.memory_space<hbm>> -> memref<1x40x128xf32, #tpu.memory_space<hbm>>
          %dma_wait3A_122 = tpu.memref_squeeze %dma_wait3A_121 : memref<1x40x128xf32, #tpu.memory_space<hbm>> -> memref<40x128xf32, #tpu.memory_space<hbm>>
          tpu.wait_dma2 semaphore(%run_scoped3A_110 : memref<!tpu.dma_semaphore, #tpu.memory_space<semaphore_mem>>) src(%arg10 : memref<40x128xf32, #tpu.memory_space<vmem>>) dst(%dma_wait3A_122 : memref<40x128xf32, #tpu.memory_space<hbm>>)
          tpu.yield
        }) : () -> ()
      } else {
      }
    }
    %scan3A_101 = arith.constant 16 : i32
    return
  }
}

module attributes {stable_mosaic.version = 14 : i64} {
  func.func @_tc_body(%arg0: i32, %arg1: memref<512x128xf32, #tpu.memory_space<vmem>>, %arg2: memref<2x512x128xf32, #tpu.memory_space<vmem>>, %arg3: memref<32x512xf32, #tpu.memory_space<vmem>>, %arg4: memref<128x128xf32, #tpu.memory_space<vmem>>, %arg5: memref<128x128xf32, #tpu.memory_space<vmem>>, %arg6: memref<1x128xf32, #tpu.memory_space<vmem>>, %arg7: memref<1x128xf32, #tpu.memory_space<vmem>>, %arg8: memref<512x128xf32, #tpu.memory_space<vmem>>) attributes {dimension_semantics = [#tpu.dimension_semantics<arbitrary>], iteration_bounds = array<i64: 20>, scalar_prefetch = 0 : i64, scratch_operands = 0 : i64, tpu.core_type = #tpu.core_type<tc>, window_params = [{transform_indices = @transform_0, window_bounds = array<i64: 512, 128>}, {transform_indices = @transform_1, window_bounds = array<i64: 2, 512, 128>}, {transform_indices = @transform_2, window_bounds = array<i64: 32, 512>}, {pipeline_mode = #tpu.pipeline_mode<synchronous>, transform_indices = @transform_3, window_bounds = array<i64: 128, 128>}, {pipeline_mode = #tpu.pipeline_mode<synchronous>, transform_indices = @transform_4, window_bounds = array<i64: 128, 128>}, {pipeline_mode = #tpu.pipeline_mode<synchronous>, transform_indices = @transform_5, window_bounds = array<i64: 1, 128>}, {pipeline_mode = #tpu.pipeline_mode<synchronous>, transform_indices = @transform_6, window_bounds = array<i64: 1, 128>}, {transform_indices = @transform_7, window_bounds = array<i64: 512, 128>}]} {
    %get3A = arith.constant 0 : index
    %get3A_0 = arith.constant 0 : index
    %get3A_1 = vector.load %arg1[%get3A, %get3A_0] : memref<512x128xf32, #tpu.memory_space<vmem>>, vector<512x128xf32>
    %get3A_2 = arith.constant 0 : index
    %get3A_3 = arith.constant 0 : index
    %get3A_4 = arith.constant 0 : index
    %get3A_5 = vector.load %arg2[%get3A_2, %get3A_3, %get3A_4] : memref<2x512x128xf32, #tpu.memory_space<vmem>>, vector<1x512x128xf32>
    %get3A_6 = vector.shape_cast %get3A_5 : vector<1x512x128xf32> to vector<512x128xf32>
    %get3A_7 = arith.constant 1 : index
    %get3A_8 = arith.constant 0 : index
    %get3A_9 = arith.constant 0 : index
    %get3A_10 = vector.load %arg2[%get3A_7, %get3A_8, %get3A_9] : memref<2x512x128xf32, #tpu.memory_space<vmem>>, vector<1x512x128xf32>
    %get3A_11 = vector.shape_cast %get3A_10 : vector<1x512x128xf32> to vector<512x128xf32>
    %add3A = arith.addf %get3A_6, %get3A_11 : vector<512x128xf32>
    %get3A_12 = arith.constant 0 : index
    %get3A_13 = arith.constant 0 : index
    %get3A_14 = vector.load %arg3[%get3A_12, %get3A_13] : memref<32x512xf32, #tpu.memory_space<vmem>>, vector<32x512xf32>
    %reduce_sum3A = arith.constant dense<0.000000e+00> : vector<512xf32>
    %reduce_sum3A_15 = vector.multi_reduction <add>, %get3A_14, %reduce_sum3A [0] : vector<32x512xf32> to vector<512xf32>
    %broadcast_in_dim3A = vector.shape_cast %reduce_sum3A_15 : vector<512xf32> to vector<512x1xf32>
    %max3A = arith.constant 1.000000e+00 : f32
    %max3A_16 = vector.broadcast %max3A : f32 to vector<512x1xf32>
    %max3A_17 = arith.maximumf %broadcast_in_dim3A, %max3A_16 : vector<512x1xf32>
    %div3A = vector.broadcast %max3A_17 : vector<512x1xf32> to vector<512x128xf32>
    %div3A_18 = arith.divf %add3A, %div3A : vector<512x128xf32>
    %get3A_19 = arith.constant 0 : index
    %get3A_20 = arith.constant 0 : index
    %get3A_21 = vector.load %arg4[%get3A_19, %get3A_20] : memref<128x128xf32, #tpu.memory_space<vmem>>, vector<128x128xf32>
    %dot_general3A = arith.constant dense<0.000000e+00> : vector<512x128xf32>
    %dot_general3A_22 = tpu.matmul %get3A_1, %get3A_21, %dot_general3A {dimension_numbers = #tpu.dot_dimension_numbers<[1], [1], [0], [0], [0, 0, 1, 0], [], []>, transpose_lhs_hint = false} : vector<512x128xf32>, vector<128x128xf32>, vector<512x128xf32> -> vector<512x128xf32>
    %get3A_23 = arith.constant 0 : index
    %get3A_24 = arith.constant 0 : index
    %get3A_25 = vector.load %arg5[%get3A_23, %get3A_24] : memref<128x128xf32, #tpu.memory_space<vmem>>, vector<128x128xf32>
    %dot_general3A_26 = arith.constant dense<0.000000e+00> : vector<512x128xf32>
    %dot_general3A_27 = tpu.matmul %div3A_18, %get3A_25, %dot_general3A_26 {dimension_numbers = #tpu.dot_dimension_numbers<[1], [1], [0], [0], [0, 0, 1, 0], [], []>, transpose_lhs_hint = false} : vector<512x128xf32>, vector<128x128xf32>, vector<512x128xf32> -> vector<512x128xf32>
    %add3A_28 = arith.addf %dot_general3A_22, %dot_general3A_27 : vector<512x128xf32>
    %get3A_29 = arith.constant 0 : index
    %get3A_30 = arith.constant 0 : index
    %get3A_31 = vector.load %arg6[%get3A_29, %get3A_30] : memref<1x128xf32, #tpu.memory_space<vmem>>, vector<1x128xf32>
    %add3A_32 = vector.broadcast %get3A_31 : vector<1x128xf32> to vector<512x128xf32>
    %add3A_33 = arith.addf %add3A_28, %add3A_32 : vector<512x128xf32>
    %get3A_34 = arith.constant 0 : index
    %get3A_35 = arith.constant 0 : index
    %get3A_36 = vector.load %arg7[%get3A_34, %get3A_35] : memref<1x128xf32, #tpu.memory_space<vmem>>, vector<1x128xf32>
    %add3A_37 = vector.broadcast %get3A_36 : vector<1x128xf32> to vector<512x128xf32>
    %add3A_38 = arith.addf %add3A_33, %add3A_37 : vector<512x128xf32>
    %max3A_39 = arith.constant 0.000000e+00 : f32
    %max3A_40 = vector.broadcast %max3A_39 : f32 to vector<512x128xf32>
    %max3A_41 = arith.maximumf %add3A_38, %max3A_40 : vector<512x128xf32>
    %swap3A = arith.constant 0 : index
    %swap3A_42 = arith.constant 0 : index
    %swap3A_43 = vector.load %arg8[%swap3A, %swap3A_42] : memref<512x128xf32, #tpu.memory_space<vmem>>, vector<512x128xf32>
    tpu.vector_store %arg8[%swap3A, %swap3A_42], %max3A_41 {strides = array<i32>} : memref<512x128xf32, #tpu.memory_space<vmem>>, vector<512x128xf32>,
    return
  }
  func.func @transform_0(%arg0: i32) -> (i32, i32) {
    %c0_i32 = arith.constant 0 : i32
    %c0_i32_0 = arith.constant 0 : i32
    return %arg0, %c0_i32 : i32, i32
  }
  func.func @transform_1(%arg0: i32) -> (i32, i32, i32) {
    %c0_i32 = arith.constant 0 : i32
    %c0_i32_0 = arith.constant 0 : i32
    %c0_i32_1 = arith.constant 0 : i32
    return %c0_i32, %arg0, %c0_i32_0 : i32, i32, i32
  }
  func.func @transform_2(%arg0: i32) -> (i32, i32) {
    %c0_i32 = arith.constant 0 : i32
    %c0_i32_0 = arith.constant 0 : i32
    return %c0_i32, %arg0 : i32, i32
  }
  func.func @transform_3(%arg0: i32) -> (i32, i32) {
    %c0_i32 = arith.constant 0 : i32
    %c0_i32_0 = arith.constant 0 : i32
    %c0_i32_1 = arith.constant 0 : i32
    return %c0_i32, %c0_i32_0 : i32, i32
  }
  func.func @transform_4(%arg0: i32) -> (i32, i32) {
    %c0_i32 = arith.constant 0 : i32
    %c0_i32_0 = arith.constant 0 : i32
    %c0_i32_1 = arith.constant 0 : i32
    return %c0_i32, %c0_i32_0 : i32, i32
  }
  func.func @transform_5(%arg0: i32) -> (i32, i32) {
    %c0_i32 = arith.constant 0 : i32
    %c0_i32_0 = arith.constant 0 : i32
    %c0_i32_1 = arith.constant 0 : i32
    return %c0_i32, %c0_i32_0 : i32, i32
  }
  func.func @transform_6(%arg0: i32) -> (i32, i32) {
    %c0_i32 = arith.constant 0 : i32
    %c0_i32_0 = arith.constant 0 : i32
    %c0_i32_1 = arith.constant 0 : i32
    return %c0_i32, %c0_i32_0 : i32, i32
  }
  func.func @transform_7(%arg0: i32) -> (i32, i32) {
    %c0_i32 = arith.constant 0 : i32
    %c0_i32_0 = arith.constant 0 : i32
    return %arg0, %c0_i32 : i32, i32
  }
}

</mosaic_0001>

<sc_bundles>
// kernel: kernel.4.cloned.1.call-start
scs
__scs_entry_jumppad:
0x0: {  	(pc) =	sbr.rel $0x88, $3  }
0x1: {  	(tag) =	ssettag $0x0;
	lr =	simm.s32 $0x1  }
0x2: {  	[smem:$0x3F9B] =	sst lr;
	_ =	strace $0xD0000000  }
0x3: {  	_ = 	snop  }
0x4: {  	_ = 	snop  }
0x5: {  	_ = 	snop  }
0x6: {  	_ = 	snop  }
0x7: {  	_ = 	snop  }
__scs_overlays_trampoline_lowered:
0x8: {  	[smem:$0x3FAA] =	sst s0  }
0x9: {  	[smem:$0x3FAB] =	sst s1  }
0xa: {  	[smem:$0x3FAC] =	sst s2  }
0xb: {  	[smem:$0x3FAD] =	sst s3  }
0xc: {  	[smem:$0x3FAE] =	sst s4  }
0xd: {  	[smem:$0x3FAF] =	sst s5  }
0xe: {  	[smem:$0x3FB0] =	sst s6  }
0xf: {  	[smem:$0x3FB1] =	sst s7  }
0x10: {  	[smem:$0x3FB2] =	sst s8  }
0x11: {  	[smem:$0x3FB3] =	sst s9;
	s0 =	simm.s32 @!p0 $0x0  }
0x12: {  	s1 =	sld [smem:$0x3F99];
	s0 =	simm.s32 @p0 $0x1  }
0x13: {  	[smem:$0x3FB4] =	sst s0;
	s0 =	simm.s32 @!p1 $0x0  }
0x14: {  	s2 =	sld [smem:$0x3F98];
	s0 =	simm.s32 @p1 $0x1  }
0x15: {  	[smem:$0x3FB5] =	sst s0;
	s0 =	simm.s32 @!p2 $0x0  }
0x16: {  	s3 =	sld [smem:$0x3FDB];
	s0 =	simm.s32 @p2 $0x1  }
0x17: {  	s4 =	simm.s32 $0x1BF5;
	[smem:$0x3FB7] =	sst s0  }
0x18: {  	s0 =	sld [smem:$0x3F9A];
	_ =	swait.ge [sflag:s4], $0x0  }
0x19: {  	s7 =	sld [smem:$0x3F9B]  }
0x1a: {  	s8 =	sadd.s32 $0xFFFFE003, lr  }
0x1b: {  	s9 =	sadd.s32 $0xFFFFFEF7, lr;
	s5 =	simm.s32 $0xFFFFFFFF;
	p2 =	slt.u32 s8, $0xFFFFF086  }
0x1c: {  	p1 =	slt.u32 s9, $0xF7A;
	s5 =	simm.s32 @!p2 $0x0  }
0x1d: {  	s5 =	simm.s32 @p1 $0x1;
	p0 =	seq.s32 s7, s2  }
0x1e: {  	s7 =	smul.u32 @!p0 $0xF7A, s2;
	p2 =	seq.s32 @!p0 s5, $0x0  }
0x1f: {  	s9 =	smul.u32 $0xF7A, s1;
	s8 =	simm.s32 @!p0 $0x1BF5;
	p2 =	por !p2, p0  }
0x20: {  	[sflag:s8] =	ssyncset.s32 @!p0 $0xFFFFF086;
	s6 =	sadd.s32 @!p0 s3, s7;
	s7 =	simm.s32 @!p0 $0x108  }
0x21: {  	s3 =	sadd.s32 s3, s9;
	s6 =	sadd.s32 @!p0 $0x88, s6;
	s7 =	simm.s32 @p2 $0x1082  }
0x22: {  	[simem:s7], [sflag:s8] =	dma.local @!p0 [hbm:s6], $0xF7A  }
0x23: {  	s9 =	sor.u32 $0xD0000000, s2;
	s6 =	simm.s32 $0x108;
	_ =	swait.ge @!p0 [sflag:s8], $0x0  }
0x24: {  	s3 =	sadd.s32 $0x88, s3;
	s6 =	simm.s32 @!p1 $0x1082;
	[sflag:s4] =	ssyncset.s32 $0xFFFFF086  }
0x25: {  	[simem:s6], [sflag:s4] =	dma.local [hbm:s3], $0xF7A  }
0x26: {  	[smem:$0x3F9B] =	sst s1;
	(tag) =	ssettag s2;
	_ =	strace s9  }
0x27: {  	s1 =	sld [smem:$0x3FAB]  }
0x28: {  	s2 =	sld [smem:$0x3FAC]  }
0x29: {  	s4 =	sld [smem:$0x3FAE]  }
0x2a: {  	p0 =	seq.s32 s5, $0x0;
	s5 =	sld [smem:$0x3FAF]  }
0x2b: {  	s6 =	sld [smem:$0x3FB0]  }
0x2c: {  	s7 =	sld [smem:$0x3FB1]  }
0x2d: {  	s3 =	simm.s32 $0x108;
	s8 =	sld [smem:$0x3FB2]  }
0x2e: {  	s3 =	simm.s32 @!p0 $0x1082;
	s9 =	sld [smem:$0x3FB3]  }
0x2f: {  	lr =	sadd.s32 s0, s3;
	s0 =	sld [smem:$0x3FAA]  }
0x30: {  	s3 =	sld [smem:$0x3FAD]  }
0x31: {  	[smem:$0x3FB6] =	sst s10  }
0x32: {  	s10 =	sld [smem:$0x3FB4];
	_ =	sdelay $0x3  }
0x33: {  	p0 =	seq.s32 s10, $0x1;
	s10 =	sld [smem:$0x3FB6];
	_ =	sdelay $0x3  }
0x34: {  	[smem:$0x3FB6] =	sst s10  }
0x35: {  	s10 =	sld [smem:$0x3FB5];
	_ =	sdelay $0x3  }
0x36: {  	p1 =	seq.s32 s10, $0x1;
	s10 =	sld [smem:$0x3FB6];
	_ =	sdelay $0x3  }
0x37: {  	[smem:$0x3FB6] =	sst s10  }
0x38: {  	s10 =	sld [smem:$0x3FB7]  }
0x39: {  	_ = 	snop;
	(pc) =	sbr.ind lr, $3  }
0x3a: {  	_ = 	snop  }
0x3b: {  	_ = 	snop  }
0x3c: {  	p2 =	seq.s32 s10, $0x1;
	s10 =	sld [smem:$0x3FB6]  }
0x3d: {  	_ =	shalt  }
0x3e: {  	_ =	shalt  }
0x3f: {  	_ =	shalt  }
0x40: {  	_ =	shalt  }
0x41: {  	_ =	shalt  }
0x42: {  	_ =	shalt  }
0x43: {  	_ =	shalt  }
0x44: {  	_ =	shalt  }
0x45: {  	_ =	shalt  }
0x46: {  	_ =	shalt  }
0x47: {  	_ =	shalt  }
0x48: {  	_ =	shalt  }
0x49: {  	_ =	shalt  }
0x4a: {  	_ =	shalt  }
0x4b: {  	_ =	shalt  }
0x4c: {  	_ =	shalt  }
0x4d: {  	_ =	shalt  }
0x4e: {  	_ =	shalt  }
0x4f: {  	_ =	shalt  }
0x50: {  	_ =	shalt  }
0x51: {  	_ =	shalt  }
0x52: {  	_ =	shalt  }
0x53: {  	_ =	shalt  }
0x54: {  	_ =	shalt  }
0x55: {  	_ =	shalt  }
0x56: {  	_ =	shalt  }
0x57: {  	_ =	shalt  }
0x58: {  	_ =	shalt  }
0x59: {  	_ =	shalt  }
0x5a: {  	_ =	shalt  }
0x5b: {  	_ =	shalt  }
0x5c: {  	_ =	shalt  }
0x5d: {  	_ =	shalt  }
0x5e: {  	_ =	shalt  }
0x5f: {  	_ =	shalt  }
0x60: {  	_ =	shalt  }
0x61: {  	_ =	shalt  }
0x62: {  	_ =	shalt  }
0x63: {  	_ =	shalt  }
0x64: {  	_ =	shalt  }
0x65: {  	_ =	shalt  }
0x66: {  	_ =	shalt  }
0x67: {  	_ =	shalt  }
0x68: {  	_ =	shalt  }
0x69: {  	_ =	shalt  }
0x6a: {  	_ =	shalt  }
0x6b: {  	_ =	shalt  }
0x6c: {  	_ =	shalt  }
0x6d: {  	_ =	shalt  }
0x6e: {  	_ =	shalt  }
0x6f: {  	_ =	shalt  }
0x70: {  	_ =	shalt  }
0x71: {  	_ =	shalt  }
0x72: {  	_ =	shalt  }
0x73: {  	_ =	shalt  }
0x74: {  	_ =	shalt  }
0x75: {  	_ =	shalt  }
0x76: {  	_ =	shalt  }
0x77: {  	_ =	shalt  }
0x78: {  	_ =	shalt  }
0x79: {  	_ =	shalt  }
0x7a: {  	_ =	shalt  }
0x7b: {  	_ =	shalt  }
0x7c: {  	_ =	shalt  }
0x7d: {  	_ =	shalt  }
0x7e: {  	_ =	shalt  }
0x7f: {  	_ =	shalt  }
0x80: {  	_ =	shalt  }
0x81: {  	_ =	shalt  }
0x82: {  	_ =	shalt  }
0x83: {  	_ =	shalt  }
0x84: {  	_ =	shalt  }
0x85: {  	_ =	shalt  }
0x86: {  	_ =	shalt  }
0x87: {  	_ =	shalt  }
.Lfunc_end0:
.L_simem_size_0:
called_computation_lowered:
.L_overlay_start_0:
0x88: {  	s2 =	sld [smem:$0x3FD9]  }
0x89: {  	s3 =	sld [smem:$0x3FFE];
	_ =	sdelay $0x1  }
0x8a: {  	s1 =	srdreg.scid  }
0x8b: {  	s0 =	sand.u32 $0x1, s1  }
0x8c: {  	s17 =	sshll.u32 s0, $0xA;
	s2 =	sadd.s32 s3, s2  }
0x8d: {  	s2 =	sadd.s32 s2, s17  }
0x8e: {  	[smem:$0x3FC2] =	sst s2  }
0x8f: {  	_ = 	snop  }
0x90: {  	s2 =	sld [smem:$0x3FC9]  }
0x91: {  	s18 =	sld [smem:$0x3FD0];
	(tm) =	ssettm $0x1  }
0x92: {  	s4 =	sld [smem:$0x3FFB];
	_ =	sdelay $0x3  }
0x93: {  	_ =	strace s4  }
0x94: {  	s4 =	sld [smem:$0x3FFC];
	_ =	sdelay $0x3  }
0x95: {  	_ =	strace s4  }
0x96: {  	s4 =	sld [smem:$0x3FFD];
	_ =	sdelay $0x3  }
0x97: {  	_ =	strace s4  }
0x98: {  	_ =	strace $0x8FFFFFFF  }
0x99: {  	s19 =	sld [smem:$0x3FDB];
	_ =	sdelay $0x1  }
0x9a: {  	s5 =	simm.s32 $_scs_section_size  }
0x9b: {  	s6 =	simm.s32 $_size__tile_overlayer_lowered;
	s7 =	simm.s32 $_tile_overlayer_lowered  }
0x9c: {  	s22 =	simm.s32 $0x1BFF;
	s21 =	sshll.u32 s7, $0x1;
	s4 =	sadd.s32 s5, s19  }
0x9d: {  	s8 =	simm.s32 $0x0;
	s20 =	sshll.u32 s6, $0x1;
	s6 =	sadd.s32 s21, s4  }
0x9e: {  	[timem:s8], [sflag:s22] =	dma.local [hbm:s6], s20  }
0x9f: {  	_ =	swait.ge [sflag:s22], s20  }
0xa0: {  	s5 =	ssub.s32 $0x0, s20;
	[sflag:s22] =	ssyncset.done $0x0  }
0xa1: {  	[sflag:s22] =	ssyncadd.s32 s5;
	_ =	sdelay $0x1  }
0xa2: {  	s23 =	simm.s32 $0x1B8B  }
0xa3: {  	_ =	swait.ge [sflag:s23], $0x1  }
0xa4: {  	[sflag:s23] =	ssyncset.done $0x0  }
0xa5: {  	s25 =	simm.s32 $0x1B8E;
	s24 =	sld [smem:$0x3FFE];
	[sflag:s23] =	ssyncadd.s32 $0xFFFFFFFF  }
0xa6: {  	s26 =	simm.s32 $execute0_lowered;
	[smem:$0x3FD2] =	sst s25  }
0xa7: {  	s6 =	sshll.u32 s26, $0x1;
	_ =	strace $0x80000046;
	[dreg:$0x1] =	wrdreg $0xFFFFFFFF  }
0xa8: {  	s28 =	simm.s32 $_size_execute0_lowered;
	s4 =	sadd.s32 s4, s6;
	[dreg:$0x0] =	wrdreg $0x0  }
0xa9: {  	s6 =	sshll.u32 s28, $0x1;
	[dreg:$0x2] =	wrdreg s4  }
0xaa: {  	[dreg:$0x3] =	wrdreg s6  }
0xab: {  	[dreg:$0x4] =	wrdreg $0xC0  }
0xac: {  	_ =	task [dreg:s8], $0x5FFFF  }
0xad: {  	[dreg:$0x1] =	wrdreg $0xFFFFFFFF  }
0xae: {  	[dreg:$0x0] =	wrdreg $0x60  }
0xaf: {  	[dreg:$0x2] =	wrdreg s2  }
0xb0: {  	[dreg:$0x3] =	wrdreg s18  }
0xb1: {  	[dreg:$0x4] =	wrdreg s24  }
0xb2: {  	[dreg:$0x5] =	wrdreg $0x0  }
0xb3: {  	[dreg:$0x6] =	wrdreg $0x9  }
0xb4: {  	_ =	task.clear_ibuf [dreg:s8], $0x7FFFF;
	_ =	strace $0x90000046  }
0xb5: {  	s29 =	simm.s32 $0x9;
	_ =	strace $0x80000048  }
0xb6: {  	_ =	swait.ge [sflag:s29], $0x1  }
0xb7: {  	[sflag:s29] =	ssyncadd.s32 $0xFFFFFFFF  }
0xb8: {  	_ =	strace $0x90000048  }
0xb9: {  	_ =	sfence  }
0xba: {  	s30 =	sld [smem:$0x0];
	_ =	sdelay $0x2  }
0xbb: {  	s31 =	sshll.u32 s1, $0xD;
	s1 =	sshrl.u32 s1, $0x2  }
0xbc: {  	s3 =	sand.u32 $0x4000, s31;
	s1 =	sadd.s32 s1, s30  }
0xbd: {  	s0 =	sor.u32 s3, s0;
	s1 =	sshll.u32 s1, $0x11  }
0xbe: {  	s0 =	sor.u32 s1, s0  }
0xbf: {  	s0 =	sadd.s32 $0x8F2B, s0  }
0xc0: {  	[sflag:s0] =	ssyncadd.remote.s32 $0x1  }
0xc1: {  	_ =	sfence.sel $0xFFFF  }
0xc2: {  	[dreg:$0x0] =	wrdreg $0xFFFFFFFF;
	(pc) =	sbr.abs _section_cstart, $3  }
0xc3: {  	[dreg:$0x1] =	wrdreg $0xFFFFFFFF  }
0xc4: {  	_ =	task.clear_ibuf [dreg:s8], $0x2FFFF;
	_ =	strace $0x9FFFFFFF  }
0xc5: {  	(tm) =	ssettm $0x7FFFFFFF  }
tec
execute0_lowered:
.L_overlay_start_1:
0x0: {  	(tag) =	ssettag $0x1  }
0x1: {  	s0 =	rddreg [dreg:$0x0];
	s1 =	srdreg.scid  }
0x2: {  	s2 =	rddreg [dreg:$0x1];
	s3 =	sand.u32 $0x1, s1  }
0x3: {  	s1 =	stileid.u32;
	s7 =	smul.u32 $0x138800, s3  }
0x4: {  	s6 =	rddreg [dreg:$0x2];
	s9 =	smul.u32 $0x1400, s1  }
0x5: {  	s4 =	rddreg [dreg:$0x3];
	s29 =	simm.s32 $0x13B80;
	s16 =	smul.u32 $0x7D000, s3  }
0x6: {  	s30 =	simm.s32 $0x3;
	s5 =	sshll.u32 s3, $0x4;
	s17 =	smul.u32 $0x7D00, s1  }
0x7: {  	s11 =	sshll.u32 s1, $0x7;
	s3 =	ssub.s32 $0x2, s3;
	s19 =	smul.u32 $0x5000, s1  }
0x8: {  	s8 =	sor.u32 s1, s5;
	s5 =	simm.s32 $0x0;
	s11 =	sand.u32 $0x380, s11  }
0x9: {  	s18 =	sshrl.u32 s3, $0x1;
	s10 =	sshrl.u32 s8, $0x3;
	[smem:$0x7FF] =	sst s5  }
0xa: {  	s7 =	sadd.s32 s9, s7;
	s8 =	smul.u32 $0x7D00, s8;
	s3 =	ssub.s32 s3, s18  }
0xb: {  	s21 =	sshrl.u32 s19, $0x2;
	s18 =	simm.s32 $0x13980;
	s19 =	simm.s32 $0x50  }
0xc: {  	s10 =	smul.u32 $0x13C00, s10;
	_ =	strace $0x80000047;
	s7 =	sshrl.u32 s7, $0x3  }
0xd: {  	s3 =	smax.u32 s3, $0x1;
	s23 =	sadd.s32 s21, s4;
	s21 =	simm.s32 $0x18C80  }
0xe: {  	s7 =	sadd.s32 s7, s6;
	s8 =	sshrl.u32 s8, $0x3;
	[dreg:$0x8] =	wrdreg s3  }
0xf: {  	[dreg:$0x9] =	wrdreg s23;
	s23 =	simm.s32 $0x13900;
	s15 =	sor.u32 s11, s10  }
0x10: {  	s12 =	sadd.s32 s2, s8;
	s31 =	sadd.s32 $0x1C00, s7;
	s7 =	simm.s32 $0x13B00  }
0x11: {  	s8 =	simm.s32 $0x4;
	s9 =	sshrl.u32 s15, $0x3;
	[dreg:$0x5] =	wrdreg s12  }
0x12: {  	s20 =	sadd.s32 $0x20, s12;
	[dreg:$0xb] =	wrdreg s31;
	s12 =	simm.s32 $0x5  }
0x13: {  	s6 =	sadd.s32 s9, s6;
	[dreg:$0x6] =	wrdreg s20;
	s9 =	sadd.s32 s17, s16  }
0x14: {  	s16 =	simm.s32 $0x13880;
	s20 =	simm.s32 $0x13C80;
	s6 =	sadd.s32 $0x4FE00, s6  }
0x15: {  	s22 =	sadd.s32 $0x500, s9;
	s25 =	sadd.s32 $0x300, s9;
	s26 =	sadd.s32 $0x200, s9  }
0x16: {  	s28 =	sadd.s32 $0x400, s9;
	s9 =	simm.s32 $0x8;
	[dreg:$0x7] =	wrdreg s6  }
0x17: {  	s24 =	sshrl.u32 s22, $0x3;
	[dreg:$0xa] =	wrdreg s28;
	s3 =	sshrl.u32 s25, $0x3  }
0x18: {  	s6 =	sshrl.u32 s26, $0x3;
	s22 =	simm.s32 $0x1;
	s25 =	simm.s32 $0x16480  }
0x19: {  	s26 =	simm.s32 $0x2;
	s11 =	sadd.s32 s24, s2;
	s13 =	sadd.s32 s3, s2  }
0x1a: {  	v0 =	vimm.f32 $0.0e+00;
	v1 =	vimm.f32 $1.000000000e+00;
	s14 =	sadd.s32 s6, s2;
	s24 =	simm.s32 $0x6;
	s3 =	simm.s32 $0x0  }
.LBB2_1:
0x1b: {  	s10 =	simm.s32 $0x40;
	s15 =	simm.s32 $0x0  }
.LBB2_2:
0x1c: {  	p0 =	sne.s32 s10, $0x9C00;
	[tilespmem:s15+$0x18C80] =	vst v0;
	s15 =	smov.u32 s10;
	s10 =	sadd.s32 $0x40, s10  }
.Ltmp0:
0x1d: {  	(pc) =	sbr.rel @p0 .LBB2_2-.Ltmp0, $2  }
0x1e: {  	_ =	sdelay $0x2  }
0x1f: {  	s15 =	sshra.s32 s15, $0x2  }
0x20: {  	[tilespmem:s15+$0x18C80] =	vst v0;
	s10 =	simm.s32 $0x0;
	s15 =	simm.s32 $0x200  }
.LBB2_4:
0x21: {  	p0 =	sne.s32 s15, $0x4E00;
	[tilespmem:s10+$0x1B470] =	vst v0  }
0x22: {  	[tilespmem:s10+$0x1B400] =	vst v0  }
0x23: {  	[tilespmem:s10+$0x1B410] =	vst v0  }
.Ltmp1:
0x24: {  	[tilespmem:s10+$0x1B420] =	vst v0;
	(pc) =	sbr.rel @p0 .LBB2_4-.Ltmp1, $4  }
0x25: {  	[tilespmem:s10+$0x1B430] =	vst v0  }
0x26: {  	[tilespmem:s10+$0x1B440] =	vst v0  }
0x27: {  	[tilespmem:s10+$0x1B450] =	vst v0  }
0x28: {  	[tilespmem:s10+$0x1B460] =	vst v0;
	s10 =	sshra.s32 s15, $0x2;
	s15 =	sadd.s32 $0x200, s15  }
0x29: {  	[tilespmem:s10+$0x1B470] =	vst v0  }
0x2a: {  	[tilespmem:s10+$0x1B400] =	vst v0  }
0x2b: {  	[tilespmem:s10+$0x1B410] =	vst v0  }
0x2c: {  	[tilespmem:s10+$0x1B420] =	vst v0  }
0x2d: {  	[tilespmem:s10+$0x1B430] =	vst v0  }
0x2e: {  	[tilespmem:s10+$0x1B440] =	vst v0;
	s15 =	sadd.s32 $0x0, s1  }
0x2f: {  	[tilespmem:s10+$0x1B450] =	vst v0;
	p0 =	sgt.u32 s15, $0xF9  }
0x30: {  	[tilespmem:s10+$0x1B460] =	vst v0;
	s2 =	rddreg [dreg:$0x9];
	s10 =	simm.s32 @!p0 $0x1B400;
	s28 =	simm.s32 @!p0 $0x9  }
0x31: {  	[spmem:s2] =	stream.linear.scatter @!p0 [tilespmem:s10], [sflag:$0x9], $0x1400, $0x38;
	[tilespmem:$0x1C800] =	vst v63  }
0x32: {  	s17 =	simm.s32 $0x20;
	_ =	swait.ge @!p0 [sflag:s28], $0x1400  }
0x33: {  	s15 =	simm.s32 $0x10;
	s10 =	sadd.s32 $0x14000, s2;
	[sflag:s28] =	ssyncset.done @!p0 $0x0  }
.LBB2_6:
0x34: {  	s2 =	sadd.s32 s15, s1;
	s15 =	smov.u32 s17;
	s17 =	sadd.s32 $0x10, s17  }
0x35: {  	[sflag:s28] =	ssyncadd.s32 @!p0 $0xFFFFEC00;
	p1 =	sne.s32 s17, $0x100  }
.Ltmp2:
0x36: {  	p0 =	sgt.u32 s2, $0xF9;
	(pc) =	sbr.rel @p1 .LBB2_6-.Ltmp2, $4  }
0x37: {  	s2 =	simm.s32 @!p0 $0x1B400;
	s28 =	simm.s32 @!p0 $0x9  }
0x38: {  	[spmem:s10] =	stream.linear.scatter @!p0 [tilespmem:s2], [sflag:$0x9], $0x1400, $0x38;
	[tilespmem:$0x1C800] =	vst v63  }
0x39: {  	_ =	swait.ge @!p0 [sflag:s28], $0x1400  }
0x3a: {  	s10 =	sadd.s32 $0x14000, s10;
	[sflag:s28] =	ssyncset.done @!p0 $0x0  }
0x3b: {  	s2 =	sadd.s32 s15, s1  }
0x3c: {  	p1 =	sgt.u32 s2, $0xF9  }
0x3d: {  	[sflag:s28] =	ssyncadd.s32 @!p0 $0xFFFFEC00;
	s2 =	simm.s32 @!p1 $0x1B400;
	s15 =	simm.s32 @!p1 $0x9  }
0x3e: {  	[spmem:s10] =	stream.linear.scatter @!p1 [tilespmem:s2], [sflag:$0x9], $0x1400, $0x38;
	[tilespmem:$0x1C800] =	vst v63  }
0x3f: {  	_ =	swait.ge @!p1 [sflag:s15], $0x1400  }
0x40: {  	[sflag:s15] =	ssyncset.done @!p1 $0x0  }
0x41: {  	[sflag:s15] =	ssyncadd.s32 @!p1 $0xFFFFEC00  }
0x42: {  	[bflag:$0x0] =	sbarrier.arrive $0xFFFF  }
0x43: {  	s17 =	simm.s32 $0x9;
	s15 =	simm.s32 $0x0;
	s10 =	rddreg [dreg:$0x5]  }
0x44: {  	[tilespmem:s16], [sflag:$0x9] =	stream.linear.gather [hbm4b:s10+s15], $0x100, $0x38;
	[tilespmem:$0x1C800] =	vst v63  }
0x45: {  	_ =	swait.ge [sflag:s17], $0x100  }
.Ltmp3:
0x46: {  	[sflag:s17] =	ssyncset.done $0x0;
	(pc) =	sbr.rel .LBB2_8-.Ltmp3, $4  }
0x47: {  	s31 =	rddreg [dreg:$0x6];
	[sflag:s17] =	ssyncadd.s32 $0xFFFFFF00  }
0x48: {  	[tilespmem:s18], [sflag:$0x6] =	stream.linear.gather [hbm4b:s31+s15], $0x100, $0x38;
	[tilespmem:$0x1C800] =	vst v63  }
0x49: {  	s10 =	simm.s32 $0x0;
	s28 =	rddreg [dreg:$0xa];
	s17 =	simm.s32 $0x2  }
0x4a: {  	[tilespmem:s20], [sflag:$0x1] =	stream.indirect.gather [hbm4b:s0+s19], $0x80, s16, s19, $0xb8;
	[tilespmem:$0x1C800] =	vst v63  }
.LBB2_17:
0x4b: {  	v2 =	vld [tilespmem:$0x13C00];
	_ =	sdelay $0x7  }
0x4c: {  	[tilespmem:v2+s21+$0x0] =	vst.idx.add.f32.msk $0xffff, v1  }
0x4d: {  	v2 =	vld [tilespmem:$0x13C10];
	_ =	sdelay $0x7  }
0x4e: {  	[tilespmem:v2+s21+$0x0] =	vst.idx.add.f32.msk $0xffff, v1  }
0x4f: {  	v2 =	vld [tilespmem:$0x13C20];
	_ =	sdelay $0x7  }
0x50: {  	[tilespmem:v2+s21+$0x0] =	vst.idx.add.f32.msk $0xffff, v1  }
0x51: {  	v2 =	vld [tilespmem:$0x13C30];
	_ =	sdelay $0x7  }
0x52: {  	[tilespmem:v2+s21+$0x0] =	vst.idx.add.f32.msk $0xffff, v1  }
0x53: {  	v2 =	vld [tilespmem:$0x13C40];
	_ =	sdelay $0x7  }
0x54: {  	[tilespmem:v2+s21+$0x0] =	vst.idx.add.f32.msk $0xffff, v1  }
0x55: {  	_ =	swait.ge [sflag:s26], $0x2800  }
0x56: {  	[sflag:s26] =	ssyncset.done $0x0  }
0x57: {  	s2 =	simm.s32 $0x13C00;
	p0 =	sgt.u32 s10, $0x1D;
	[sflag:s26] =	ssyncadd.s32 $0xFFFFD800  }
0x58: {  	[spmem:s4] =	stream.indirect.scatter.add.f32 [tilespmem:s25], [sflag:$0x4], $0x80, s2, s19, $0xb8;
	[tilespmem:$0x1C800] =	vst v63  }
0x59: {  	s6 =	simm.s32 @!p0 $0x0;
	s31 =	simm.s32 @!p0 $0x13980;
	s2 =	sadd.s32 @!p0 s15, s11  }
0x5a: {  	[tilespmem:s31], [sflag:$0x6] =	stream.linear.gather @!p0 [hbm4b:s2+s6], $0x100, $0x38;
	[tilespmem:$0x1C800] =	vst v63  }
0x5b: {  	_ =	swait.ge [sflag:s30], $0x2800  }
0x5c: {  	[sflag:s30] =	ssyncset.done $0x0  }
0x5d: {  	[sflag:s30] =	ssyncadd.s32 $0xFFFFD800  }
0x5e: {  	_ =	swait.ge [sflag:s12], $0x100  }
0x5f: {  	[sflag:s12] =	ssyncset.done $0x0  }
0x60: {  	[sflag:s12] =	ssyncadd.s32 $0xFFFFFF00  }
0x61: {  	[tilespmem:s20], [sflag:$0x1] =	stream.indirect.gather [hbm4b:s0+s19], $0x80, s16, s19, $0xb8;
	[tilespmem:$0x1C800] =	vst v63  }
.LBB2_18:
0x62: {  	s15 =	sadd.s32 $0x80, s15  }
0x63: {  	p0 =	sne.s32 s15, $0x1000  }
.Ltmp4:
0x64: {  	_ = 	snop;
	(pc) =	sbr.rel @!p0 .LBB2_19-.Ltmp4, $2  }
0x65: {  	_ =	sdelay $0x2  }
0x66: {  	s10 =	sadd.s32 $0x1, s10;
	s28 =	sadd.s32 $0x400, s28;
	s17 =	sadd.s32 $0x4, s17  }
.LBB2_8:
0x67: {  	v2 =	vld [tilespmem:$0x13900];
	_ =	sdelay $0x7  }
0x68: {  	[tilespmem:v2+s21+$0x0] =	vst.idx.add.f32.msk $0xffff, v1  }
0x69: {  	v2 =	vld [tilespmem:$0x13910];
	_ =	sdelay $0x7  }
0x6a: {  	[tilespmem:v2+s21+$0x0] =	vst.idx.add.f32.msk $0xffff, v1  }
0x6b: {  	v2 =	vld [tilespmem:$0x13920];
	_ =	sdelay $0x7  }
0x6c: {  	[tilespmem:v2+s21+$0x0] =	vst.idx.add.f32.msk $0xffff, v1  }
0x6d: {  	v2 =	vld [tilespmem:$0x13930];
	_ =	sdelay $0x7  }
0x6e: {  	[tilespmem:v2+s21+$0x0] =	vst.idx.add.f32.msk $0xffff, v1  }
0x6f: {  	v2 =	vld [tilespmem:$0x13940];
	_ =	sdelay $0x7  }
0x70: {  	[tilespmem:v2+s21+$0x0] =	vst.idx.add.f32.msk $0xffff, v1  }
0x71: {  	p1 =	seq.s32 s10, $0x0;
	_ =	swait.ge [sflag:s22], $0x2800  }
.Ltmp5:
0x72: {  	[sflag:s22] =	ssyncset.done $0x0;
	(pc) =	sbr.rel @p1 .LBB2_11-.Ltmp5, $4  }
0x73: {  	p0 =	sgt.u32 s17, $0x7C;
	[sflag:s22] =	ssyncadd.s32 $0xFFFFD800  }
0x74: {  	[spmem:s4] =	stream.indirect.scatter.add.f32 [tilespmem:s20], [sflag:$0x3], $0x80, s23, s19, $0xb8;
	[tilespmem:$0x1C800] =	vst v63  }
0x75: {  	s2 =	sadd.s32 @!p0 s15, s14;
	s6 =	simm.s32 @!p0 $0x0;
	s31 =	simm.s32 @!p0 $0x13A80  }
0x76: {  	[tilespmem:s31], [sflag:$0x7] =	stream.linear.gather @!p0 [hbm4b:s2+s6], $0x100, $0x38;
	[tilespmem:$0x1C800] =	vst v63  }
0x77: {  	p1 =	seq.s32 s10, $0x1F  }
.Ltmp6:
0x78: {  	_ = 	snop;
	(pc) =	sbr.rel @p1 .LBB2_14-.Ltmp6, $1  }
0x79: {  	_ =	sdelay $0x3  }
0x7a: {  	_ =	swait.ge [sflag:s8], $0x2800  }
0x7b: {  	[sflag:s8] =	ssyncset.done $0x0  }
0x7c: {  	[sflag:s8] =	ssyncadd.s32 $0xFFFFD800  }
.LBB2_11:
0x7d: {  	p1 =	sgt.u32 s10, $0x1E  }
.Ltmp7:
0x7e: {  	_ = 	snop;
	(pc) =	sbr.rel @p1 .LBB2_14-.Ltmp7, $4  }
0x7f: {  	_ =	swait.ge [sflag:s24], $0x100  }
0x80: {  	[sflag:s24] =	ssyncset.done $0x0  }
0x81: {  	[sflag:s24] =	ssyncadd.s32 $0xFFFFFF00  }
0x82: {  	[tilespmem:s25], [sflag:$0x2] =	stream.indirect.gather [hbm4b:s0+s19], $0x80, s18, s19, $0xb8;
	[tilespmem:$0x1C800] =	vst v63  }
0x83: {  	v2 =	vld [tilespmem:$0x13A00];
	_ =	sdelay $0x7  }
0x84: {  	[tilespmem:v2+s21+$0x0] =	vst.idx.add.f32.msk $0xffff, v1  }
0x85: {  	v2 =	vld [tilespmem:$0x13A10];
	_ =	sdelay $0x7  }
0x86: {  	[tilespmem:v2+s21+$0x0] =	vst.idx.add.f32.msk $0xffff, v1  }
0x87: {  	v2 =	vld [tilespmem:$0x13A20];
	_ =	sdelay $0x7  }
0x88: {  	[tilespmem:v2+s21+$0x0] =	vst.idx.add.f32.msk $0xffff, v1  }
0x89: {  	v2 =	vld [tilespmem:$0x13A30];
	_ =	sdelay $0x7  }
0x8a: {  	[tilespmem:v2+s21+$0x0] =	vst.idx.add.f32.msk $0xffff, v1  }
0x8b: {  	v2 =	vld [tilespmem:$0x13A40];
	_ =	sdelay $0x7  }
0x8c: {  	[tilespmem:v2+s21+$0x0] =	vst.idx.add.f32.msk $0xffff, v1  }
0x8d: {  	_ =	swait.ge [sflag:s26], $0x2800  }
.Ltmp8:
0x8e: {  	[sflag:s26] =	ssyncset.done $0x0;
	(pc) =	sbr.rel @p0 .LBB2_17-.Ltmp8, $4  }
0x8f: {  	s2 =	simm.s32 $0x13A00;
	[sflag:s26] =	ssyncadd.s32 $0xFFFFD800  }
0x90: {  	[spmem:s4] =	stream.indirect.scatter.add.f32 [tilespmem:s25], [sflag:$0x4], $0x80, s2, s19, $0xb8;
	[tilespmem:$0x1C800] =	vst v63  }
0x91: {  	s31 =	sadd.s32 s15, s13  }
0x92: {  	[tilespmem:s29], [sflag:$0x8] =	stream.linear.gather [hbm4b:s31+s5], $0x100, $0x38;
	[tilespmem:$0x1C800] =	vst v63  }
0x93: {  	_ =	swait.ge [sflag:s30], $0x2800  }
0x94: {  	[sflag:s30] =	ssyncset.done $0x0  }
.Ltmp9:
0x95: {  	s2 =	simm.s32 $0x7;
	[sflag:s30] =	ssyncadd.s32 $0xFFFFD800;
	(pc) =	sbr.rel .LBB2_15-.Ltmp9, $4  }
0x96: {  	_ =	swait.ge [sflag:s2], $0x100  }
0x97: {  	[sflag:s2] =	ssyncset.done $0x0  }
0x98: {  	s31 =	simm.s32 $0x13A80;
	[sflag:s2] =	ssyncadd.s32 $0xFFFFFF00  }
0x99: {  	[tilespmem:s20], [sflag:$0x1] =	stream.indirect.gather [hbm4b:s0+s19], $0x80, s31, s19, $0xb8;
	[tilespmem:$0x1C800] =	vst v63  }
.LBB2_14:
.Ltmp10:
0x9a: {  	(pc) =	sbr.rel @p0 .LBB2_18-.Ltmp10, $1  }
0x9b: {  	_ =	sdelay $0x3  }
.LBB2_15:
0x9c: {  	v2 =	vld [tilespmem:$0x13B00];
	_ =	sdelay $0x7  }
0x9d: {  	[tilespmem:v2+s21+$0x0] =	vst.idx.add.f32.msk $0xffff, v1  }
0x9e: {  	v2 =	vld [tilespmem:$0x13B10];
	_ =	sdelay $0x7  }
0x9f: {  	[tilespmem:v2+s21+$0x0] =	vst.idx.add.f32.msk $0xffff, v1  }
0xa0: {  	v2 =	vld [tilespmem:$0x13B20];
	_ =	sdelay $0x7  }
0xa1: {  	[tilespmem:v2+s21+$0x0] =	vst.idx.add.f32.msk $0xffff, v1  }
0xa2: {  	v2 =	vld [tilespmem:$0x13B30];
	_ =	sdelay $0x7  }
0xa3: {  	[tilespmem:v2+s21+$0x0] =	vst.idx.add.f32.msk $0xffff, v1  }
0xa4: {  	v2 =	vld [tilespmem:$0x13B40];
	_ =	sdelay $0x6  }
0xa5: {  	p0 =	seq.s32 s15, $0xF80  }
.Ltmp11:
0xa6: {  	[tilespmem:v2+s21+$0x0] =	vst.idx.add.f32.msk $0xffff, v1;
	(pc) =	sbr.rel @p0 .LBB2_19-.Ltmp11, $4  }
0xa7: {  	_ =	swait.ge [sflag:s22], $0x2800  }
0xa8: {  	[sflag:s22] =	ssyncset.done $0x0  }
0xa9: {  	[sflag:s22] =	ssyncadd.s32 $0xFFFFD800  }
0xaa: {  	[spmem:s4] =	stream.indirect.scatter.add.f32 [tilespmem:s20], [sflag:$0x3], $0x80, s7, s19, $0xb8;
	[tilespmem:$0x1C800] =	vst v63  }
0xab: {  	s2 =	sshrl.u32 s28, $0x3;
	s6 =	rddreg [dreg:$0x1]  }
0xac: {  	s2 =	sadd.s32 s6, s2  }
0xad: {  	[tilespmem:s16], [sflag:$0x5] =	stream.linear.gather [hbm4b:s2+s5], $0x100, $0x38;
	[tilespmem:$0x1C800] =	vst v63  }
0xae: {  	_ =	swait.ge [sflag:s8], $0x2800  }
0xaf: {  	p0 =	sgt.u32 s10, $0x1E;
	[sflag:s8] =	ssyncset.done $0x0  }
.Ltmp12:
0xb0: {  	[sflag:s8] =	ssyncadd.s32 $0xFFFFD800;
	(pc) =	sbr.rel @p0 .LBB2_18-.Ltmp12, $4  }
.Ltmp13:
0xb1: {  	_ =	swait.ge [sflag:s9], $0x100;
	(pc) =	sbr.rel @!p0 .LBB2_17-.Ltmp13, $4  }
0xb2: {  	[sflag:s9] =	ssyncset.done $0x0  }
0xb3: {  	[sflag:s9] =	ssyncadd.s32 $0xFFFFFF00  }
0xb4: {  	[tilespmem:s25], [sflag:$0x2] =	stream.indirect.gather [hbm4b:s0+s19], $0x80, s29, s19, $0xb8;
	[tilespmem:$0x1C800] =	vst v63  }
0xb5: {  	_ = 	snop  }
.LBB2_19:
0xb6: {  	_ =	swait.ge [sflag:s30], $0x2800  }
0xb7: {  	[sflag:s30] =	ssyncset.done $0x0  }
0xb8: {  	[sflag:s30] =	ssyncadd.s32 $0xFFFFD800  }
0xb9: {  	_ =	swait.ge [sflag:s8], $0x2800  }
0xba: {  	[sflag:s8] =	ssyncset.done $0x0  }
0xbb: {  	[sflag:s8] =	ssyncadd.s32 $0xFFFFD800  }
0xbc: {  	s6 =	simm.s32 $0x80;
	s10 =	simm.s32 $0x400;
	[bflag:$0x0] =	sbarrier.arrive $0xFFFF  }
0xbd: {  	s15 =	simm.s32 $0x9;
	s17 =	sadd.s32 $0x0, s1;
	s2 =	rddreg [dreg:$0x7]  }
0xbe: {  	[hbm4b:s2+s6] =	stream.strided.scatter [tilespmem:s21], [sflag:$0x9], $0x2780, s10, s6, $0x38;
	[tilespmem:$0x1C800] =	vst v63  }
0xbf: {  	p0 =	sgt.u32 s17, $0xF9;
	_ =	swait.ge [sflag:s15], $0x2780  }
0xc0: {  	s2 =	simm.s32 @!p0 $0x1B400;
	s6 =	simm.s32 @!p0 $0xA;
	[sflag:s15] =	ssyncset.done $0x0  }
0xc1: {  	p0 =	por p0, p0;
	s17 =	rddreg [dreg:$0x9];
	[sflag:s15] =	ssyncadd.s32 $0xFFFFD880  }
0xc2: {  	[tilespmem:s2], [sflag:$0xA] =	stream.linear.gather @!p0 [spmem:s17], $0x1400, $0x38;
	[tilespmem:$0x1C800] =	vst v63  }
0xc3: {  	_ =	swait.ge @!p0 [sflag:s6], $0x1400  }
0xc4: {  	s31 =	sadd.s32 $0x10, s1;
	s28 =	simm.s32 @!p0 $0x9;
	[sflag:s6] =	ssyncset.done @!p0 $0x0  }
0xc5: {  	s10 =	rddreg [dreg:$0xb];
	[sflag:s6] =	ssyncadd.s32 @!p0 $0xFFFFEC00;
	s6 =	simm.s32 @!p0 $0x0  }
0xc6: {  	[hbm4b:s10+s6] =	stream.linear.scatter @!p0 [tilespmem:s2], [sflag:$0x9], $0x1400, $0x38;
	[tilespmem:$0x1C800] =	vst v63  }
0xc7: {  	p1 =	sgt.u32 s31, $0xF9;
	s15 =	simm.s32 $0x20;
	_ =	swait.ge @!p0 [sflag:s28], $0x1400  }
0xc8: {  	s17 =	sadd.s32 $0x14000, s17;
	s10 =	sadd.s32 $0x2800, s10;
	[sflag:s28] =	ssyncset.done @!p0 $0x0  }
.LBB2_20:
0xc9: {  	s2 =	simm.s32 @!p1 $0x1B400;
	s6 =	simm.s32 @!p1 $0xA;
	[sflag:s28] =	ssyncadd.s32 @!p0 $0xFFFFEC00  }
0xca: {  	s31 =	smov.u32 s15;
	p0 =	por p1, p1;
	s15 =	sadd.s32 $0x10, s15  }
0xcb: {  	[tilespmem:s2], [sflag:$0xA] =	stream.linear.gather @!p0 [spmem:s17], $0x1400, $0x38;
	[tilespmem:$0x1C800] =	vst v63  }
0xcc: {  	p2 =	sne.s32 s15, $0x100;
	_ =	swait.ge @!p0 [sflag:s6], $0x1400  }
.Ltmp14:
0xcd: {  	[sflag:s6] =	ssyncset.done @!p0 $0x0;
	(pc) =	sbr.rel @p2 .LBB2_20-.Ltmp14, $4  }
0xce: {  	s28 =	simm.s32 @!p0 $0x9;
	[sflag:s6] =	ssyncadd.s32 @!p0 $0xFFFFEC00;
	s6 =	simm.s32 @!p0 $0x0  }
0xcf: {  	[hbm4b:s10+s6] =	stream.linear.scatter @!p0 [tilespmem:s2], [sflag:$0x9], $0x1400, $0x38;
	[tilespmem:$0x1C800] =	vst v63  }
0xd0: {  	s2 =	sadd.s32 s31, s1;
	s10 =	sadd.s32 $0x2800, s10;
	_ =	swait.ge @!p0 [sflag:s28], $0x1400  }
0xd1: {  	s17 =	sadd.s32 $0x14000, s17;
	p1 =	sgt.u32 s2, $0xF9;
	[sflag:s28] =	ssyncset.done @!p0 $0x0  }
0xd2: {  	s2 =	simm.s32 @!p1 $0x1B400  }
0xd3: {  	s6 =	simm.s32 @!p1 $0xA;
	[sflag:s28] =	ssyncadd.s32 @!p0 $0xFFFFEC00;
	p0 =	por p1, p1  }
0xd4: {  	[tilespmem:s2], [sflag:$0xA] =	stream.linear.gather @!p0 [spmem:s17], $0x1400, $0x38;
	[tilespmem:$0x1C800] =	vst v63  }
0xd5: {  	_ =	swait.ge @!p0 [sflag:s6], $0x1400  }
0xd6: {  	[sflag:s6] =	ssyncset.done @!p0 $0x0  }
0xd7: {  	s15 =	simm.s32 @!p0 $0x9;
	[sflag:s6] =	ssyncadd.s32 @!p0 $0xFFFFEC00;
	s6 =	simm.s32 @!p0 $0x0  }
0xd8: {  	[hbm4b:s10+s6] =	stream.linear.scatter @!p0 [tilespmem:s2], [sflag:$0x9], $0x1400, $0x38;
	[tilespmem:$0x1C800] =	vst v63  }
0xd9: {  	_ =	swait.ge @!p0 [sflag:s15], $0x1400  }
0xda: {  	s3 =	sadd.s32 $0x1, s3;
	s31 =	rddreg [dreg:$0x8]  }
0xdb: {  	p1 =	sne.s32 s3, s31  }
.Ltmp15:
0xdc: {  	_ = 	snop;
	(pc) =	sbr.rel @p1 .LBB2_1-.Ltmp15, $3  }
0xdd: {  	_ =	sdelay $0x1  }
0xde: {  	[sflag:s15] =	ssyncset.done @!p0 $0x0  }
0xdf: {  	[sflag:s15] =	ssyncadd.s32 @!p0 $0xFFFFEC00  }
0xe0: {  	_ =	sfence.sel $0x180000  }
0xe1: {  	[bflag:$0x0] =	sbarrier.arrive $0xFFFF  }
0xe2: {  	_ =	strace $0x90000047  }
0xe3: {  	[bflag:$0x2] =	sbarrier.arrive $0xFFFF  }
0xe4: {  	p0 =	sne.s32 s1, $0x0;
	s0 =	rddreg [dreg:$0x4]  }
0xe5: {  	s0 =	sadd.s32 @!p0 $0x100000, s0  }
0xe6: {  	[sflag:s0] =	ssyncadd.tile.s32 @!p0 $0x1;
	_ =	shalt  }
.Lfunc_end2:
_tile_overlayer_lowered:
.L_overlay_start_2:
0xe7: {  	(tag) =	ssettag $0x2  }
0xe8: {  	s0 =	rddreg [dreg:$0x0];
	s2 =	stileid.u32  }
0xe9: {  	s1 =	rddreg [dreg:$0x1];
	p0 =	sne.s32 s2, $0x0  }
0xea: {  	s3 =	rddreg [dreg:$0x2];
	[bflag:$0x3] =	sbarrier.arrive $0xFFFF;
	s2 =	simm.s32 @!p0 $0x1C09  }
0xeb: {  	[timem:s3], [sflag:s2] =	dma.local @!p0 [hbm:s0], s1  }
0xec: {  	s0 =	simm.s32 @!p0 $0x9  }
0xed: {  	_ =	swait.ge @!p0 [sflag:s0], s1  }
0xee: {  	s1 =	ssub.s32 @!p0 $0x0, s1;
	[sflag:s0] =	ssyncset.done @!p0 $0x0  }
0xef: {  	[sflag:s0] =	ssyncadd.s32 @!p0 s1  }
0xf0: {  	[bflag:$0x3] =	sbarrier.arrive $0xFFFF  }
0xf1: {  	_ =	shalt  }

</sc_bundles>
